<compile_context>
chip_gen: v7x
topology: tpu7x:2x2x1
jax: 0.10.2.dev20260603
libtpu: 0.0.44.dev20260713+nightly
codegen_flags: <defaults>
</compile_context>

<pallas_src>
import functools

import jax
import jax.numpy as jnp
from jax import lax
from jax.experimental import pallas as pl
from jax.experimental.pallas import tpu as pltpu
from jax.experimental.pallas import tpu_sc as plsc

DIM = 2048
E = 64
EPS = 1e-06


def _gate_kernel(x_ref, w_ref, b_ref, hit_ref, p0_ref, hit_s, p0_s,
                 *, n_st, n_b):
    bi = pl.program_id(0)
    st = pl.program_id(1)

    xb = x_ref[0]
    w = w_ref[...]
    logits = jax.lax.dot_general(
        xb, w, (((1,), (1,)), ((), ())),
        preferred_element_type=jnp.float32) + b_ref[0]

    rowmax = jnp.max(logits, axis=1, keepdims=True)
    iota = jax.lax.broadcasted_iota(jnp.int32, logits.shape, 1)
    first = jnp.min(jnp.where(logits == rowmax, iota, E), axis=1,
                    keepdims=True)
    onehot = (iota == first).astype(jnp.float32)
    hit_part = jnp.max(onehot, axis=0, keepdims=True)

    @pl.when(st == 0)
    def _():
        hit_s[pl.ds(bi, 1), :] = hit_part
        rows = logits[:E]
        m = jnp.max(rows, axis=1, keepdims=True)
        ex = jnp.exp(rows - m)
        se = jnp.sum(ex, axis=1, keepdims=True)
        p0_s[pl.ds(bi, 1), :] = (ex[:, :1] / se).reshape(1, E)

    @pl.when(st != 0)
    def _():
        hit_s[pl.ds(bi, 1), :] = jnp.maximum(hit_s[pl.ds(bi, 1), :], hit_part)

    @pl.when(jnp.logical_and(bi == n_b - 1, st == n_st - 1))
    def _():
        hit_ref[...] = hit_s[...]
        p0_ref[...] = p0_s[...]


def _sc_finalize(hit_hbm, p0_hbm, vals_hbm, loss_hbm, hit_v, p0_v, vals_v,
                 loss_v, tmp_v, *, n_b, seq, cap):
    L = 16
    nchunk = n_b * E // L
    jc = E // L
    lane = lax.broadcasted_iota(jnp.int32, (L,), 0)

    dnums = lax.GatherDimensionNumbers(
        offset_dims=(), collapsed_slice_dims=(0,), start_index_map=(0,))

    def lane_allsum(v):
        for sh in (8, 4, 2, 1):
            idx = jnp.bitwise_xor(lane, sh)
            shuf = lax.gather(v, idx[:, None], dnums, (1,),
                              mode=lax.GatherScatterMode.PROMISE_IN_BOUNDS)
            v = v + shuf
        return v

    @pl.when(jnp.logical_and(lax.axis_index("c") == 0,
                             lax.axis_index("s") == 0))
    def _():
        pltpu.sync_copy(hit_hbm, hit_v)
        pltpu.sync_copy(p0_hbm, p0_v)

        m_chunks = [hit_v[pl.ds(k * L, L)] * p0_v[pl.ds(k * L, L)]
                    for k in range(nchunk)]
        d_chunks = []
        for j in range(jc):
            d = m_chunks[j]
            for b in range(1, n_b):
                d = d + m_chunks[b * jc + j]
            d_chunks.append(d + EPS)
        v_chunks = [m_chunks[k] / d_chunks[k % jc] * cap
                    for k in range(nchunk)]
        for k in range(nchunk):
            vals_v[pl.ds(k * L, L)] = v_chunks[k]

        zero = jnp.zeros((L,), jnp.float32)
        a_i = a_i2 = a_l = a_l2 = zero
        for j in range(jc):
            imp = v_chunks[j]
            ld = jnp.where(v_chunks[j] > 0.0, 1.0, 0.0)
            for b in range(1, n_b):
                imp = imp + v_chunks[b * jc + j]
                ld = ld + jnp.where(v_chunks[b * jc + j] > 0.0, 1.0, 0.0)
            a_i = a_i + imp
            a_i2 = a_i2 + imp * imp
            a_l = a_l + ld
            a_l2 = a_l2 + ld * ld

        s1i = lane_allsum(a_i)
        s2i = lane_allsum(a_i2)
        s1l = lane_allsum(a_l)
        s2l = lane_allsum(a_l2)

        n = float(seq * E)
        def cv2(s1, s2):
            m_ = s1 / n
            var = (s2 - n * m_ * m_) / (n - 1.0)
            return var / (m_ * m_ + 1e-10)

        loss = cv2(s1i, s2i) + cv2(s1l, s2l)
        loss_v[...] = jnp.where(lane == 0, loss, zero)

        pltpu.sync_copy(vals_v, vals_hbm)
        pltpu.sync_copy(loss_v, loss_hbm)


@jax.jit
def kernel(x, W, b):
    B, S, D = x.shape
    ne = W.shape[0]
    cap = float(int(1.0 * B))
    TS = 1024
    n_st = S // TS
    grid = (B, n_st)

    hit, p0 = pl.pallas_call(
        functools.partial(_gate_kernel, n_st=n_st, n_b=B),
        grid=grid,
        in_specs=[
            pl.BlockSpec((1, TS, D), lambda bi, st: (bi, st, 0)),
            pl.BlockSpec((ne, D), lambda bi, st: (0, 0)),
            pl.BlockSpec((1, ne), lambda bi, st: (0, 0)),
        ],
        out_specs=[
            pl.BlockSpec((B, ne), lambda bi, st: (0, 0)),
            pl.BlockSpec((B, ne), lambda bi, st: (0, 0)),
        ],
        out_shape=[
            jax.ShapeDtypeStruct((B, ne), jnp.float32),
            jax.ShapeDtypeStruct((B, ne), jnp.float32),
        ],
        scratch_shapes=[
            pltpu.VMEM((B, ne), jnp.float32),
            pltpu.VMEM((B, ne), jnp.float32),
        ],
    )(x, W, b.reshape(1, ne))

    mesh = plsc.VectorSubcoreMesh(core_axis_name="c", subcore_axis_name="s")
    sc_fin = pl.kernel(
        functools.partial(_sc_finalize, n_b=B, seq=S, cap=cap),
        mesh=mesh,
        out_type=[
            jax.ShapeDtypeStruct((B * ne,), jnp.float32),
            jax.ShapeDtypeStruct((16,), jnp.float32),
        ],
        scratch_types=[
            pltpu.VMEM((B * ne,), jnp.float32),
            pltpu.VMEM((B * ne,), jnp.float32),
            pltpu.VMEM((B * ne,), jnp.float32),
            pltpu.VMEM((16,), jnp.float32),
            pltpu.VMEM((16,), jnp.float32),
        ],
    )
    vals_flat, loss_vec = sc_fin(hit.reshape(B * ne), p0.reshape(B * ne))
    vals = vals_flat.reshape(B, ne)

    gs = jnp.zeros((B, S, ne), jnp.float32).at[:, :ne, 0].set(vals)
    return gs, loss_vec[0]

# --- scband reference (transcript-rebuilt; emitter-appended) ---
"""Pipeline reference for scband-switch-gate-61478161875325 (READ-ONLY COPY).

The authoritative reference and input builder live on the scoring server;
editing this copy changes nothing except your own understanding.
"""

import jax, jax.numpy as jnp
import numpy as np

DIM = 2048
NUM_EXPERTS = 64
CAPACITY_FACTOR = 1.0
EPSILON = 1e-06


def setup_inputs(seed: int = 0) -> dict:
    key = jax.random.key(seed)
    kx, kw = jax.random.split(key, 2)
    x = jax.random.normal(kx, (4, 2048, DIM), dtype=jnp.float32)
    W = jax.random.normal(kw, (NUM_EXPERTS, DIM), dtype=jnp.float32) * (1.0 / np.sqrt(DIM))
    b = jnp.zeros((NUM_EXPERTS,), dtype=jnp.float32)
    return {"x": x, "W": W, "b": b}


def _cv_squared(x):
    # torch: x.float().var() is unbiased (ddof=1) over all elements
    xf = x.astype(jnp.float32)
    if xf.shape[0] == 1:
        return jnp.zeros((), dtype=jnp.float32)
    n = xf.size
    m = jnp.mean(xf)
    v = jnp.sum((xf - m) ** 2) / (n - 1)
    return v / (m ** 2 + 1e-10)


def reference(x, W, b):
    # gate_scores: [B, S, E]
    gate_scores = jax.nn.softmax(jnp.einsum('bsd,ed->bse', x, W) + b, axis=-1)
    B, S, E = gate_scores.shape
    capacity = int(CAPACITY_FACTOR * B)
    # topk(1, dim=-1)
    _, top_idx = jax.lax.top_k(gate_scores, 1)  # [B, S, 1]
    # Faithful replication of torch scatter_(1, top_k_indices, 1) on a 3D tensor:
    # mask[b, top_idx[b, s, 0], 0] = 1
    b_idx = jnp.arange(B)[:, None]
    mask = jnp.zeros_like(gate_scores).at[b_idx, top_idx[:, :, 0], 0].set(1.0)
    masked = gate_scores * mask
    denom = jnp.sum(masked, axis=0, keepdims=True) + EPSILON
    gs = masked / denom * capacity
    importance = jnp.sum(gs, axis=0)
    load = jnp.sum((gs > 0).astype(jnp.float32), axis=0)
    loss = _cv_squared(importance) + _cv_squared(load)
    return (gs, loss)

if __name__ == "__main__":
    import jax
    _d = setup_inputs()
    print(jax.jit(kernel)(*tuple(_d.values())))

</pallas_src>

<mosaic_0001>
#map = affine_map<(d0, d1) -> (0)>
module attributes {stable_mosaic.version = 14 : i64} {
  func.func @_sc_finalize(%arg0: i32, %arg1: i32, %arg2: memref<256xf32, #tpu.memory_space<hbm>>, %arg3: memref<256xf32, #tpu.memory_space<hbm>>, %arg4: memref<256xf32, #tpu.memory_space<hbm>>, %arg5: memref<16xf32, #tpu.memory_space<hbm>>, %arg6: memref<256xf32, #tpu.memory_space<vmem>>, %arg7: memref<256xf32, #tpu.memory_space<vmem>>, %arg8: memref<256xf32, #tpu.memory_space<vmem>>, %arg9: memref<16xf32, #tpu.memory_space<vmem>>, %arg10: memref<16xf32, #tpu.memory_space<vmem>>) attributes {dimension_semantics = [#tpu.dimension_semantics<core_parallel>, #tpu.dimension_semantics<subcore_parallel>], iteration_bounds = array<i64: 2, 16>, scalar_prefetch = 0 : i64, scratch_operands = 5 : i64, tpu.core_type = #tpu.core_type<sc_vector_subcore>, window_params = [{transform_indices = #map}, {transform_indices = #map}, {transform_indices = #map}, {transform_indices = #map}]} {
    %iota3A = tpu.iota {dimensions = array<i32: 0>} : vector<16xi32>
    %eq3A = arith.constant 0 : i32
    %eq3A_0 = arith.cmpi eq, %arg0, %eq3A : i32
    %eq3A_1 = arith.constant 0 : i32
    %eq3A_2 = arith.cmpi eq, %arg1, %eq3A_1 : i32
    %and3A = arith.andi %eq3A_0, %eq3A_2 : i1
    %convert_element_type3A = arith.extui %and3A : i1 to i32
    %cond3A = arith.constant 0 : i32
    %cond3A_3 = arith.cmpi ne, %convert_element_type3A, %cond3A : i32
    scf.if %cond3A_3 {
      "tpu.region"() ({
        %run_scoped3A = tpu.sem_alloc : memref<!tpu.dma_semaphore, #tpu.memory_space<semaphore_mem>>
        tpu.enqueue_dma source(%arg2 : memref<256xf32, #tpu.memory_space<hbm>>) target(%arg6 : memref<256xf32, #tpu.memory_space<vmem>>) target_semaphore(%run_scoped3A : memref<!tpu.dma_semaphore, #tpu.memory_space<semaphore_mem>>)
        tpu.wait_dma2 semaphore(%run_scoped3A : memref<!tpu.dma_semaphore, #tpu.memory_space<semaphore_mem>>) src(%arg2 : memref<256xf32, #tpu.memory_space<hbm>>) dst(%arg6 : memref<256xf32, #tpu.memory_space<vmem>>)
        tpu.yield
      }) : () -> ()
      "tpu.region"() ({
        %run_scoped3A = tpu.sem_alloc : memref<!tpu.dma_semaphore, #tpu.memory_space<semaphore_mem>>
        tpu.enqueue_dma source(%arg3 : memref<256xf32, #tpu.memory_space<hbm>>) target(%arg7 : memref<256xf32, #tpu.memory_space<vmem>>) target_semaphore(%run_scoped3A : memref<!tpu.dma_semaphore, #tpu.memory_space<semaphore_mem>>)
        tpu.wait_dma2 semaphore(%run_scoped3A : memref<!tpu.dma_semaphore, #tpu.memory_space<semaphore_mem>>) src(%arg3 : memref<256xf32, #tpu.memory_space<hbm>>) dst(%arg7 : memref<256xf32, #tpu.memory_space<vmem>>)
        tpu.yield
      }) : () -> ()
      %get3A = arith.constant 0 : index
      %get3A_4 = tpu.vector_load %arg6[%get3A] {strides = array<i32>} : memref<256xf32, #tpu.memory_space<vmem>>, vector<16xf32>,
      %get3A_5 = vector.shape_cast %get3A_4 : vector<16xf32> to vector<16xf32>
      %get3A_6 = arith.constant 0 : index
      %get3A_7 = tpu.vector_load %arg7[%get3A_6] {strides = array<i32>} : memref<256xf32, #tpu.memory_space<vmem>>, vector<16xf32>,
      %get3A_8 = vector.shape_cast %get3A_7 : vector<16xf32> to vector<16xf32>
      %mul3A = arith.mulf %get3A_5, %get3A_8 : vector<16xf32>
      %get3A_9 = arith.constant 16 : index
      %get3A_10 = tpu.vector_load %arg6[%get3A_9] {strides = array<i32>} : memref<256xf32, #tpu.memory_space<vmem>>, vector<16xf32>,
      %get3A_11 = vector.shape_cast %get3A_10 : vector<16xf32> to vector<16xf32>
      %get3A_12 = arith.constant 16 : index
      %get3A_13 = tpu.vector_load %arg7[%get3A_12] {strides = array<i32>} : memref<256xf32, #tpu.memory_space<vmem>>, vector<16xf32>,
      %get3A_14 = vector.shape_cast %get3A_13 : vector<16xf32> to vector<16xf32>
      %mul3A_15 = arith.mulf %get3A_11, %get3A_14 : vector<16xf32>
      %get3A_16 = arith.constant 32 : index
      %get3A_17 = tpu.vector_load %arg6[%get3A_16] {strides = array<i32>} : memref<256xf32, #tpu.memory_space<vmem>>, vector<16xf32>,
      %get3A_18 = vector.shape_cast %get3A_17 : vector<16xf32> to vector<16xf32>
      %get3A_19 = arith.constant 32 : index
      %get3A_20 = tpu.vector_load %arg7[%get3A_19] {strides = array<i32>} : memref<256xf32, #tpu.memory_space<vmem>>, vector<16xf32>,
      %get3A_21 = vector.shape_cast %get3A_20 : vector<16xf32> to vector<16xf32>
      %mul3A_22 = arith.mulf %get3A_18, %get3A_21 : vector<16xf32>
      %get3A_23 = arith.constant 48 : index
      %get3A_24 = tpu.vector_load %arg6[%get3A_23] {strides = array<i32>} : memref<256xf32, #tpu.memory_space<vmem>>, vector<16xf32>,
      %get3A_25 = vector.shape_cast %get3A_24 : vector<16xf32> to vector<16xf32>
      %get3A_26 = arith.constant 48 : index
      %get3A_27 = tpu.vector_load %arg7[%get3A_26] {strides = array<i32>} : memref<256xf32, #tpu.memory_space<vmem>>, vector<16xf32>,
      %get3A_28 = vector.shape_cast %get3A_27 : vector<16xf32> to vector<16xf32>
      %mul3A_29 = arith.mulf %get3A_25, %get3A_28 : vector<16xf32>
      %get3A_30 = arith.constant 64 : index
      %get3A_31 = tpu.vector_load %arg6[%get3A_30] {strides = array<i32>} : memref<256xf32, #tpu.memory_space<vmem>>, vector<16xf32>,
      %get3A_32 = vector.shape_cast %get3A_31 : vector<16xf32> to vector<16xf32>
      %get3A_33 = arith.constant 64 : index
      %get3A_34 = tpu.vector_load %arg7[%get3A_33] {strides = array<i32>} : memref<256xf32, #tpu.memory_space<vmem>>, vector<16xf32>,
      %get3A_35 = vector.shape_cast %get3A_34 : vector<16xf32> to vector<16xf32>
      %mul3A_36 = arith.mulf %get3A_32, %get3A_35 : vector<16xf32>
      %get3A_37 = arith.constant 80 : index
      %get3A_38 = tpu.vector_load %arg6[%get3A_37] {strides = array<i32>} : memref<256xf32, #tpu.memory_space<vmem>>, vector<16xf32>,
      %get3A_39 = vector.shape_cast %get3A_38 : vector<16xf32> to vector<16xf32>
      %get3A_40 = arith.constant 80 : index
      %get3A_41 = tpu.vector_load %arg7[%get3A_40] {strides = array<i32>} : memref<256xf32, #tpu.memory_space<vmem>>, vector<16xf32>,
      %get3A_42 = vector.shape_cast %get3A_41 : vector<16xf32> to vector<16xf32>
      %mul3A_43 = arith.mulf %get3A_39, %get3A_42 : vector<16xf32>
      %get3A_44 = arith.constant 96 : index
      %get3A_45 = tpu.vector_load %arg6[%get3A_44] {strides = array<i32>} : memref<256xf32, #tpu.memory_space<vmem>>, vector<16xf32>,
      %get3A_46 = vector.shape_cast %get3A_45 : vector<16xf32> to vector<16xf32>
      %get3A_47 = arith.constant 96 : index
      %get3A_48 = tpu.vector_load %arg7[%get3A_47] {strides = array<i32>} : memref<256xf32, #tpu.memory_space<vmem>>, vector<16xf32>,
      %get3A_49 = vector.shape_cast %get3A_48 : vector<16xf32> to vector<16xf32>
      %mul3A_50 = arith.mulf %get3A_46, %get3A_49 : vector<16xf32>
      %get3A_51 = arith.constant 112 : index
      %get3A_52 = tpu.vector_load %arg6[%get3A_51] {strides = array<i32>} : memref<256xf32, #tpu.memory_space<vmem>>, vector<16xf32>,
      %get3A_53 = vector.shape_cast %get3A_52 : vector<16xf32> to vector<16xf32>
      %get3A_54 = arith.constant 112 : index
      %get3A_55 = tpu.vector_load %arg7[%get3A_54] {strides = array<i32>} : memref<256xf32, #tpu.memory_space<vmem>>, vector<16xf32>,
      %get3A_56 = vector.shape_cast %get3A_55 : vector<16xf32> to vector<16xf32>
      %mul3A_57 = arith.mulf %get3A_53, %get3A_56 : vector<16xf32>
      %get3A_58 = arith.constant 128 : index
      %get3A_59 = tpu.vector_load %arg6[%get3A_58] {strides = array<i32>} : memref<256xf32, #tpu.memory_space<vmem>>, vector<16xf32>,
      %get3A_60 = vector.shape_cast %get3A_59 : vector<16xf32> to vector<16xf32>
      %get3A_61 = arith.constant 128 : index
      %get3A_62 = tpu.vector_load %arg7[%get3A_61] {strides = array<i32>} : memref<256xf32, #tpu.memory_space<vmem>>, vector<16xf32>,
      %get3A_63 = vector.shape_cast %get3A_62 : vector<16xf32> to vector<16xf32>
      %mul3A_64 = arith.mulf %get3A_60, %get3A_63 : vector<16xf32>
      %get3A_65 = arith.constant 144 : index
      %get3A_66 = tpu.vector_load %arg6[%get3A_65] {strides = array<i32>} : memref<256xf32, #tpu.memory_space<vmem>>, vector<16xf32>,
      %get3A_67 = vector.shape_cast %get3A_66 : vector<16xf32> to vector<16xf32>
      %get3A_68 = arith.constant 144 : index
      %get3A_69 = tpu.vector_load %arg7[%get3A_68] {strides = array<i32>} : memref<256xf32, #tpu.memory_space<vmem>>, vector<16xf32>,
      %get3A_70 = vector.shape_cast %get3A_69 : vector<16xf32> to vector<16xf32>
      %mul3A_71 = arith.mulf %get3A_67, %get3A_70 : vector<16xf32>
      %get3A_72 = arith.constant 160 : index
      %get3A_73 = tpu.vector_load %arg6[%get3A_72] {strides = array<i32>} : memref<256xf32, #tpu.memory_space<vmem>>, vector<16xf32>,
      %get3A_74 = vector.shape_cast %get3A_73 : vector<16xf32> to vector<16xf32>
      %get3A_75 = arith.constant 160 : index
      %get3A_76 = tpu.vector_load %arg7[%get3A_75] {strides = array<i32>} : memref<256xf32, #tpu.memory_space<vmem>>, vector<16xf32>,
      %get3A_77 = vector.shape_cast %get3A_76 : vector<16xf32> to vector<16xf32>
      %mul3A_78 = arith.mulf %get3A_74, %get3A_77 : vector<16xf32>
      %get3A_79 = arith.constant 176 : index
      %get3A_80 = tpu.vector_load %arg6[%get3A_79] {strides = array<i32>} : memref<256xf32, #tpu.memory_space<vmem>>, vector<16xf32>,
      %get3A_81 = vector.shape_cast %get3A_80 : vector<16xf32> to vector<16xf32>
      %get3A_82 = arith.constant 176 : index
      %get3A_83 = tpu.vector_load %arg7[%get3A_82] {strides = array<i32>} : memref<256xf32, #tpu.memory_space<vmem>>, vector<16xf32>,
      %get3A_84 = vector.shape_cast %get3A_83 : vector<16xf32> to vector<16xf32>
      %mul3A_85 = arith.mulf %get3A_81, %get3A_84 : vector<16xf32>
      %get3A_86 = arith.constant 192 : index
      %get3A_87 = tpu.vector_load %arg6[%get3A_86] {strides = array<i32>} : memref<256xf32, #tpu.memory_space<vmem>>, vector<16xf32>,
      %get3A_88 = vector.shape_cast %get3A_87 : vector<16xf32> to vector<16xf32>
      %get3A_89 = arith.constant 192 : index
      %get3A_90 = tpu.vector_load %arg7[%get3A_89] {strides = array<i32>} : memref<256xf32, #tpu.memory_space<vmem>>, vector<16xf32>,
      %get3A_91 = vector.shape_cast %get3A_90 : vector<16xf32> to vector<16xf32>
      %mul3A_92 = arith.mulf %get3A_88, %get3A_91 : vector<16xf32>
      %get3A_93 = arith.constant 208 : index
      %get3A_94 = tpu.vector_load %arg6[%get3A_93] {strides = array<i32>} : memref<256xf32, #tpu.memory_space<vmem>>, vector<16xf32>,
      %get3A_95 = vector.shape_cast %get3A_94 : vector<16xf32> to vector<16xf32>
      %get3A_96 = arith.constant 208 : index
      %get3A_97 = tpu.vector_load %arg7[%get3A_96] {strides = array<i32>} : memref<256xf32, #tpu.memory_space<vmem>>, vector<16xf32>,
      %get3A_98 = vector.shape_cast %get3A_97 : vector<16xf32> to vector<16xf32>
      %mul3A_99 = arith.mulf %get3A_95, %get3A_98 : vector<16xf32>
      %get3A_100 = arith.constant 224 : index
      %get3A_101 = tpu.vector_load %arg6[%get3A_100] {strides = array<i32>} : memref<256xf32, #tpu.memory_space<vmem>>, vector<16xf32>,
      %get3A_102 = vector.shape_cast %get3A_101 : vector<16xf32> to vector<16xf32>
      %get3A_103 = arith.constant 224 : index
      %get3A_104 = tpu.vector_load %arg7[%get3A_103] {strides = array<i32>} : memref<256xf32, #tpu.memory_space<vmem>>, vector<16xf32>,
      %get3A_105 = vector.shape_cast %get3A_104 : vector<16xf32> to vector<16xf32>
      %mul3A_106 = arith.mulf %get3A_102, %get3A_105 : vector<16xf32>
      %get3A_107 = arith.constant 240 : index
      %get3A_108 = tpu.vector_load %arg6[%get3A_107] {strides = array<i32>} : memref<256xf32, #tpu.memory_space<vmem>>, vector<16xf32>,
      %get3A_109 = vector.shape_cast %get3A_108 : vector<16xf32> to vector<16xf32>
      %get3A_110 = arith.constant 240 : index
      %get3A_111 = tpu.vector_load %arg7[%get3A_110] {strides = array<i32>} : memref<256xf32, #tpu.memory_space<vmem>>, vector<16xf32>,
      %get3A_112 = vector.shape_cast %get3A_111 : vector<16xf32> to vector<16xf32>
      %mul3A_113 = arith.mulf %get3A_109, %get3A_112 : vector<16xf32>
      %add3A = arith.addf %mul3A, %mul3A_36 : vector<16xf32>
      %add3A_114 = arith.addf %add3A, %mul3A_64 : vector<16xf32>
      %add3A_115 = arith.addf %add3A_114, %mul3A_92 : vector<16xf32>
      %add3A_116 = arith.constant 9.99999997E-7 : f32
      %add3A_117 = vector.broadcast %add3A_116 : f32 to vector<16xf32>
      %add3A_118 = arith.addf %add3A_115, %add3A_117 : vector<16xf32>
      %add3A_119 = arith.addf %mul3A_15, %mul3A_43 : vector<16xf32>
      %add3A_120 = arith.addf %add3A_119, %mul3A_71 : vector<16xf32>
      %add3A_121 = arith.addf %add3A_120, %mul3A_99 : vector<16xf32>
      %add3A_122 = arith.constant 9.99999997E-7 : f32
      %add3A_123 = vector.broadcast %add3A_122 : f32 to vector<16xf32>
      %add3A_124 = arith.addf %add3A_121, %add3A_123 : vector<16xf32>
      %add3A_125 = arith.addf %mul3A_22, %mul3A_50 : vector<16xf32>
      %add3A_126 = arith.addf %add3A_125, %mul3A_78 : vector<16xf32>
      %add3A_127 = arith.addf %add3A_126, %mul3A_106 : vector<16xf32>
      %add3A_128 = arith.constant 9.99999997E-7 : f32
      %add3A_129 = vector.broadcast %add3A_128 : f32 to vector<16xf32>
      %add3A_130 = arith.addf %add3A_127, %add3A_129 : vector<16xf32>
      %add3A_131 = arith.addf %mul3A_29, %mul3A_57 : vector<16xf32>
      %add3A_132 = arith.addf %add3A_131, %mul3A_85 : vector<16xf32>
      %add3A_133 = arith.addf %add3A_132, %mul3A_113 : vector<16xf32>
      %add3A_134 = arith.constant 9.99999997E-7 : f32
      %add3A_135 = vector.broadcast %add3A_134 : f32 to vector<16xf32>
      %add3A_136 = arith.addf %add3A_133, %add3A_135 : vector<16xf32>
      %div3A = arith.divf %mul3A, %add3A_118 : vector<16xf32>
      %mul3A_137 = arith.constant 4.000000e+00 : f32
      %mul3A_138 = vector.broadcast %mul3A_137 : f32 to vector<16xf32>
      %mul3A_139 = arith.mulf %div3A, %mul3A_138 : vector<16xf32>
      %div3A_140 = arith.divf %mul3A_15, %add3A_124 : vector<16xf32>
      %mul3A_141 = arith.constant 4.000000e+00 : f32
      %mul3A_142 = vector.broadcast %mul3A_141 : f32 to vector<16xf32>
      %mul3A_143 = arith.mulf %div3A_140, %mul3A_142 : vector<16xf32>
      %div3A_144 = arith.divf %mul3A_22, %add3A_130 : vector<16xf32>
      %mul3A_145 = arith.constant 4.000000e+00 : f32
      %mul3A_146 = vector.broadcast %mul3A_145 : f32 to vector<16xf32>
      %mul3A_147 = arith.mulf %div3A_144, %mul3A_146 : vector<16xf32>
      %div3A_148 = arith.divf %mul3A_29, %add3A_136 : vector<16xf32>
      %mul3A_149 = arith.constant 4.000000e+00 : f32
      %mul3A_150 = vector.broadcast %mul3A_149 : f32 to vector<16xf32>
      %mul3A_151 = arith.mulf %div3A_148, %mul3A_150 : vector<16xf32>
      %div3A_152 = arith.divf %mul3A_36, %add3A_118 : vector<16xf32>
      %mul3A_153 = arith.constant 4.000000e+00 : f32
      %mul3A_154 = vector.broadcast %mul3A_153 : f32 to vector<16xf32>
      %mul3A_155 = arith.mulf %div3A_152, %mul3A_154 : vector<16xf32>
      %div3A_156 = arith.divf %mul3A_43, %add3A_124 : vector<16xf32>
      %mul3A_157 = arith.constant 4.000000e+00 : f32
      %mul3A_158 = vector.broadcast %mul3A_157 : f32 to vector<16xf32>
      %mul3A_159 = arith.mulf %div3A_156, %mul3A_158 : vector<16xf32>
      %div3A_160 = arith.divf %mul3A_50, %add3A_130 : vector<16xf32>
      %mul3A_161 = arith.constant 4.000000e+00 : f32
      %mul3A_162 = vector.broadcast %mul3A_161 : f32 to vector<16xf32>
      %mul3A_163 = arith.mulf %div3A_160, %mul3A_162 : vector<16xf32>
      %div3A_164 = arith.divf %mul3A_57, %add3A_136 : vector<16xf32>
      %mul3A_165 = arith.constant 4.000000e+00 : f32
      %mul3A_166 = vector.broadcast %mul3A_165 : f32 to vector<16xf32>
      %mul3A_167 = arith.mulf %div3A_164, %mul3A_166 : vector<16xf32>
      %div3A_168 = arith.divf %mul3A_64, %add3A_118 : vector<16xf32>
      %mul3A_169 = arith.constant 4.000000e+00 : f32
      %mul3A_170 = vector.broadcast %mul3A_169 : f32 to vector<16xf32>
      %mul3A_171 = arith.mulf %div3A_168, %mul3A_170 : vector<16xf32>
      %div3A_172 = arith.divf %mul3A_71, %add3A_124 : vector<16xf32>
      %mul3A_173 = arith.constant 4.000000e+00 : f32
      %mul3A_174 = vector.broadcast %mul3A_173 : f32 to vector<16xf32>
      %mul3A_175 = arith.mulf %div3A_172, %mul3A_174 : vector<16xf32>
      %div3A_176 = arith.divf %mul3A_78, %add3A_130 : vector<16xf32>
      %mul3A_177 = arith.constant 4.000000e+00 : f32
      %mul3A_178 = vector.broadcast %mul3A_177 : f32 to vector<16xf32>
      %mul3A_179 = arith.mulf %div3A_176, %mul3A_178 : vector<16xf32>
      %div3A_180 = arith.divf %mul3A_85, %add3A_136 : vector<16xf32>
      %mul3A_181 = arith.constant 4.000000e+00 : f32
      %mul3A_182 = vector.broadcast %mul3A_181 : f32 to vector<16xf32>
      %mul3A_183 = arith.mulf %div3A_180, %mul3A_182 : vector<16xf32>
      %div3A_184 = arith.divf %mul3A_92, %add3A_118 : vector<16xf32>
      %mul3A_185 = arith.constant 4.000000e+00 : f32
      %mul3A_186 = vector.broadcast %mul3A_185 : f32 to vector<16xf32>
      %mul3A_187 = arith.mulf %div3A_184, %mul3A_186 : vector<16xf32>
      %div3A_188 = arith.divf %mul3A_99, %add3A_124 : vector<16xf32>
      %mul3A_189 = arith.constant 4.000000e+00 : f32
      %mul3A_190 = vector.broadcast %mul3A_189 : f32 to vector<16xf32>
      %mul3A_191 = arith.mulf %div3A_188, %mul3A_190 : vector<16xf32>
      %div3A_192 = arith.divf %mul3A_106, %add3A_130 : vector<16xf32>
      %mul3A_193 = arith.constant 4.000000e+00 : f32
      %mul3A_194 = vector.broadcast %mul3A_193 : f32 to vector<16xf32>
      %mul3A_195 = arith.mulf %div3A_192, %mul3A_194 : vector<16xf32>
      %div3A_196 = arith.divf %mul3A_113, %add3A_136 : vector<16xf32>
      %mul3A_197 = arith.constant 4.000000e+00 : f32
      %mul3A_198 = vector.broadcast %mul3A_197 : f32 to vector<16xf32>
      %mul3A_199 = arith.mulf %div3A_196, %mul3A_198 : vector<16xf32>
      %swap3A = arith.constant 0 : index
      %swap3A_200 = tpu.vector_load %arg8[%swap3A] {strides = array<i32>} : memref<256xf32, #tpu.memory_space<vmem>>, vector<16xf32>,
      %swap3A_201 = vector.shape_cast %swap3A_200 : vector<16xf32> to vector<16xf32>
      %swap3A_202 = vector.shape_cast %mul3A_139 : vector<16xf32> to vector<16xf32>
      tpu.vector_store %arg8[%swap3A], %swap3A_202 {strides = array<i32>} : memref<256xf32, #tpu.memory_space<vmem>>, vector<16xf32>,
      %swap3A_203 = arith.constant 16 : index
      %swap3A_204 = tpu.vector_load %arg8[%swap3A_203] {strides = array<i32>} : memref<256xf32, #tpu.memory_space<vmem>>, vector<16xf32>,
      %swap3A_205 = vector.shape_cast %swap3A_204 : vector<16xf32> to vector<16xf32>
      %swap3A_206 = vector.shape_cast %mul3A_143 : vector<16xf32> to vector<16xf32>
      tpu.vector_store %arg8[%swap3A_203], %swap3A_206 {strides = array<i32>} : memref<256xf32, #tpu.memory_space<vmem>>, vector<16xf32>,
      %swap3A_207 = arith.constant 32 : index
      %swap3A_208 = tpu.vector_load %arg8[%swap3A_207] {strides = array<i32>} : memref<256xf32, #tpu.memory_space<vmem>>, vector<16xf32>,
      %swap3A_209 = vector.shape_cast %swap3A_208 : vector<16xf32> to vector<16xf32>
      %swap3A_210 = vector.shape_cast %mul3A_147 : vector<16xf32> to vector<16xf32>
      tpu.vector_store %arg8[%swap3A_207], %swap3A_210 {strides = array<i32>} : memref<256xf32, #tpu.memory_space<vmem>>, vector<16xf32>,
      %swap3A_211 = arith.constant 48 : index
      %swap3A_212 = tpu.vector_load %arg8[%swap3A_211] {strides = array<i32>} : memref<256xf32, #tpu.memory_space<vmem>>, vector<16xf32>,
      %swap3A_213 = vector.shape_cast %swap3A_212 : vector<16xf32> to vector<16xf32>
      %swap3A_214 = vector.shape_cast %mul3A_151 : vector<16xf32> to vector<16xf32>
      tpu.vector_store %arg8[%swap3A_211], %swap3A_214 {strides = array<i32>} : memref<256xf32, #tpu.memory_space<vmem>>, vector<16xf32>,
      %swap3A_215 = arith.constant 64 : index
      %swap3A_216 = tpu.vector_load %arg8[%swap3A_215] {strides = array<i32>} : memref<256xf32, #tpu.memory_space<vmem>>, vector<16xf32>,
      %swap3A_217 = vector.shape_cast %swap3A_216 : vector<16xf32> to vector<16xf32>
      %swap3A_218 = vector.shape_cast %mul3A_155 : vector<16xf32> to vector<16xf32>
      tpu.vector_store %arg8[%swap3A_215], %swap3A_218 {strides = array<i32>} : memref<256xf32, #tpu.memory_space<vmem>>, vector<16xf32>,
      %swap3A_219 = arith.constant 80 : index
      %swap3A_220 = tpu.vector_load %arg8[%swap3A_219] {strides = array<i32>} : memref<256xf32, #tpu.memory_space<vmem>>, vector<16xf32>,
      %swap3A_221 = vector.shape_cast %swap3A_220 : vector<16xf32> to vector<16xf32>
      %swap3A_222 = vector.shape_cast %mul3A_159 : vector<16xf32> to vector<16xf32>
      tpu.vector_store %arg8[%swap3A_219], %swap3A_222 {strides = array<i32>} : memref<256xf32, #tpu.memory_space<vmem>>, vector<16xf32>,
      %swap3A_223 = arith.constant 96 : index
      %swap3A_224 = tpu.vector_load %arg8[%swap3A_223] {strides = array<i32>} : memref<256xf32, #tpu.memory_space<vmem>>, vector<16xf32>,
      %swap3A_225 = vector.shape_cast %swap3A_224 : vector<16xf32> to vector<16xf32>
      %swap3A_226 = vector.shape_cast %mul3A_163 : vector<16xf32> to vector<16xf32>
      tpu.vector_store %arg8[%swap3A_223], %swap3A_226 {strides = array<i32>} : memref<256xf32, #tpu.memory_space<vmem>>, vector<16xf32>,
      %swap3A_227 = arith.constant 112 : index
      %swap3A_228 = tpu.vector_load %arg8[%swap3A_227] {strides = array<i32>} : memref<256xf32, #tpu.memory_space<vmem>>, vector<16xf32>,
      %swap3A_229 = vector.shape_cast %swap3A_228 : vector<16xf32> to vector<16xf32>
      %swap3A_230 = vector.shape_cast %mul3A_167 : vector<16xf32> to vector<16xf32>
      tpu.vector_store %arg8[%swap3A_227], %swap3A_230 {strides = array<i32>} : memref<256xf32, #tpu.memory_space<vmem>>, vector<16xf32>,
      %swap3A_231 = arith.constant 128 : index
      %swap3A_232 = tpu.vector_load %arg8[%swap3A_231] {strides = array<i32>} : memref<256xf32, #tpu.memory_space<vmem>>, vector<16xf32>,
      %swap3A_233 = vector.shape_cast %swap3A_232 : vector<16xf32> to vector<16xf32>
      %swap3A_234 = vector.shape_cast %mul3A_171 : vector<16xf32> to vector<16xf32>
      tpu.vector_store %arg8[%swap3A_231], %swap3A_234 {strides = array<i32>} : memref<256xf32, #tpu.memory_space<vmem>>, vector<16xf32>,
      %swap3A_235 = arith.constant 144 : index
      %swap3A_236 = tpu.vector_load %arg8[%swap3A_235] {strides = array<i32>} : memref<256xf32, #tpu.memory_space<vmem>>, vector<16xf32>,
      %swap3A_237 = vector.shape_cast %swap3A_236 : vector<16xf32> to vector<16xf32>
      %swap3A_238 = vector.shape_cast %mul3A_175 : vector<16xf32> to vector<16xf32>
      tpu.vector_store %arg8[%swap3A_235], %swap3A_238 {strides = array<i32>} : memref<256xf32, #tpu.memory_space<vmem>>, vector<16xf32>,
      %swap3A_239 = arith.constant 160 : index
      %swap3A_240 = tpu.vector_load %arg8[%swap3A_239] {strides = array<i32>} : memref<256xf32, #tpu.memory_space<vmem>>, vector<16xf32>,
      %swap3A_241 = vector.shape_cast %swap3A_240 : vector<16xf32> to vector<16xf32>
      %swap3A_242 = vector.shape_cast %mul3A_179 : vector<16xf32> to vector<16xf32>
      tpu.vector_store %arg8[%swap3A_239], %swap3A_242 {strides = array<i32>} : memref<256xf32, #tpu.memory_space<vmem>>, vector<16xf32>,
      %swap3A_243 = arith.constant 176 : index
      %swap3A_244 = tpu.vector_load %arg8[%swap3A_243] {strides = array<i32>} : memref<256xf32, #tpu.memory_space<vmem>>, vector<16xf32>,
      %swap3A_245 = vector.shape_cast %swap3A_244 : vector<16xf32> to vector<16xf32>
      %swap3A_246 = vector.shape_cast %mul3A_183 : vector<16xf32> to vector<16xf32>
      tpu.vector_store %arg8[%swap3A_243], %swap3A_246 {strides = array<i32>} : memref<256xf32, #tpu.memory_space<vmem>>, vector<16xf32>,
      %swap3A_247 = arith.constant 192 : index
      %swap3A_248 = tpu.vector_load %arg8[%swap3A_247] {strides = array<i32>} : memref<256xf32, #tpu.memory_space<vmem>>, vector<16xf32>,
      %swap3A_249 = vector.shape_cast %swap3A_248 : vector<16xf32> to vector<16xf32>
      %swap3A_250 = vector.shape_cast %mul3A_187 : vector<16xf32> to vector<16xf32>
      tpu.vector_store %arg8[%swap3A_247], %swap3A_250 {strides = array<i32>} : memref<256xf32, #tpu.memory_space<vmem>>, vector<16xf32>,
      %swap3A_251 = arith.constant 208 : index
      %swap3A_252 = tpu.vector_load %arg8[%swap3A_251] {strides = array<i32>} : memref<256xf32, #tpu.memory_space<vmem>>, vector<16xf32>,
      %swap3A_253 = vector.shape_cast %swap3A_252 : vector<16xf32> to vector<16xf32>
      %swap3A_254 = vector.shape_cast %mul3A_191 : vector<16xf32> to vector<16xf32>
      tpu.vector_store %arg8[%swap3A_251], %swap3A_254 {strides = array<i32>} : memref<256xf32, #tpu.memory_space<vmem>>, vector<16xf32>,
      %swap3A_255 = arith.constant 224 : index
      %swap3A_256 = tpu.vector_load %arg8[%swap3A_255] {strides = array<i32>} : memref<256xf32, #tpu.memory_space<vmem>>, vector<16xf32>,
      %swap3A_257 = vector.shape_cast %swap3A_256 : vector<16xf32> to vector<16xf32>
      %swap3A_258 = vector.shape_cast %mul3A_195 : vector<16xf32> to vector<16xf32>
      tpu.vector_store %arg8[%swap3A_255], %swap3A_258 {strides = array<i32>} : memref<256xf32, #tpu.memory_space<vmem>>, vector<16xf32>,
      %swap3A_259 = arith.constant 240 : index
      %swap3A_260 = tpu.vector_load %arg8[%swap3A_259] {strides = array<i32>} : memref<256xf32, #tpu.memory_space<vmem>>, vector<16xf32>,
      %swap3A_261 = vector.shape_cast %swap3A_260 : vector<16xf32> to vector<16xf32>
      %swap3A_262 = vector.shape_cast %mul3A_199 : vector<16xf32> to vector<16xf32>
      tpu.vector_store %arg8[%swap3A_259], %swap3A_262 {strides = array<i32>} : memref<256xf32, #tpu.memory_space<vmem>>, vector<16xf32>,
      %broadcast_in_dim3A = arith.constant 0.000000e+00 : f32
      %broadcast_in_dim3A_263 = vector.broadcast %broadcast_in_dim3A : f32 to vector<16xf32>
      %gt3A = arith.constant 0.000000e+00 : f32
      %gt3A_264 = vector.broadcast %gt3A : f32 to vector<16xf32>
      %gt3A_265 = arith.cmpf ogt, %mul3A_139, %gt3A_264 : vector<16xf32>
      %jit3A = arith.constant 1.000000e+00 : f32
      %jit3A_266 = arith.constant 0.000000e+00 : f32
      %broadcast_in_dim3A_267 = vector.broadcast %jit3A : f32 to vector<16xf32>
      %broadcast_in_dim3A_268 = vector.broadcast %jit3A_266 : f32 to vector<16xf32>
      %select_n3A = arith.select %gt3A_265, %broadcast_in_dim3A_267, %broadcast_in_dim3A_268 : vector<16xi1>, vector<16xf32>
      %add3A_269 = arith.addf %mul3A_139, %mul3A_155 : vector<16xf32>
      %gt3A_270 = arith.constant 0.000000e+00 : f32
      %gt3A_271 = vector.broadcast %gt3A_270 : f32 to vector<16xf32>
      %gt3A_272 = arith.cmpf ogt, %mul3A_155, %gt3A_271 : vector<16xf32>
      %jit3A_273 = arith.constant 1.000000e+00 : f32
      %jit3A_274 = arith.constant 0.000000e+00 : f32
      %broadcast_in_dim3A_275 = vector.broadcast %jit3A_273 : f32 to vector<16xf32>
      %broadcast_in_dim3A_276 = vector.broadcast %jit3A_274 : f32 to vector<16xf32>
      %select_n3A_277 = arith.select %gt3A_272, %broadcast_in_dim3A_275, %broadcast_in_dim3A_276 : vector<16xi1>, vector<16xf32>
      %add3A_278 = arith.addf %select_n3A, %select_n3A_277 : vector<16xf32>
      %add3A_279 = arith.addf %add3A_269, %mul3A_171 : vector<16xf32>
      %gt3A_280 = arith.constant 0.000000e+00 : f32
      %gt3A_281 = vector.broadcast %gt3A_280 : f32 to vector<16xf32>
      %gt3A_282 = arith.cmpf ogt, %mul3A_171, %gt3A_281 : vector<16xf32>
      %jit3A_283 = arith.constant 1.000000e+00 : f32
      %jit3A_284 = arith.constant 0.000000e+00 : f32
      %broadcast_in_dim3A_285 = vector.broadcast %jit3A_283 : f32 to vector<16xf32>
      %broadcast_in_dim3A_286 = vector.broadcast %jit3A_284 : f32 to vector<16xf32>
      %select_n3A_287 = arith.select %gt3A_282, %broadcast_in_dim3A_285, %broadcast_in_dim3A_286 : vector<16xi1>, vector<16xf32>
      %add3A_288 = arith.addf %add3A_278, %select_n3A_287 : vector<16xf32>
      %add3A_289 = arith.addf %add3A_279, %mul3A_187 : vector<16xf32>
      %gt3A_290 = arith.constant 0.000000e+00 : f32
      %gt3A_291 = vector.broadcast %gt3A_290 : f32 to vector<16xf32>
      %gt3A_292 = arith.cmpf ogt, %mul3A_187, %gt3A_291 : vector<16xf32>
      %jit3A_293 = arith.constant 1.000000e+00 : f32
      %jit3A_294 = arith.constant 0.000000e+00 : f32
      %broadcast_in_dim3A_295 = vector.broadcast %jit3A_293 : f32 to vector<16xf32>
      %broadcast_in_dim3A_296 = vector.broadcast %jit3A_294 : f32 to vector<16xf32>
      %select_n3A_297 = arith.select %gt3A_292, %broadcast_in_dim3A_295, %broadcast_in_dim3A_296 : vector<16xi1>, vector<16xf32>
      %add3A_298 = arith.addf %add3A_288, %select_n3A_297 : vector<16xf32>
      %add3A_299 = arith.addf %broadcast_in_dim3A_263, %add3A_289 : vector<16xf32>
      %mul3A_300 = arith.mulf %add3A_289, %add3A_289 : vector<16xf32>
      %add3A_301 = arith.addf %broadcast_in_dim3A_263, %mul3A_300 : vector<16xf32>
      %add3A_302 = arith.addf %broadcast_in_dim3A_263, %add3A_298 : vector<16xf32>
      %mul3A_303 = arith.mulf %add3A_298, %add3A_298 : vector<16xf32>
      %add3A_304 = arith.addf %broadcast_in_dim3A_263, %mul3A_303 : vector<16xf32>
      %gt3A_305 = arith.constant 0.000000e+00 : f32
      %gt3A_306 = vector.broadcast %gt3A_305 : f32 to vector<16xf32>
      %gt3A_307 = arith.cmpf ogt, %mul3A_143, %gt3A_306 : vector<16xf32>
      %jit3A_308 = arith.constant 1.000000e+00 : f32
      %jit3A_309 = arith.constant 0.000000e+00 : f32
      %broadcast_in_dim3A_310 = vector.broadcast %jit3A_308 : f32 to vector<16xf32>
      %broadcast_in_dim3A_311 = vector.broadcast %jit3A_309 : f32 to vector<16xf32>
      %select_n3A_312 = arith.select %gt3A_307, %broadcast_in_dim3A_310, %broadcast_in_dim3A_311 : vector<16xi1>, vector<16xf32>
      %add3A_313 = arith.addf %mul3A_143, %mul3A_159 : vector<16xf32>
      %gt3A_314 = arith.constant 0.000000e+00 : f32
      %gt3A_315 = vector.broadcast %gt3A_314 : f32 to vector<16xf32>
      %gt3A_316 = arith.cmpf ogt, %mul3A_159, %gt3A_315 : vector<16xf32>
      %jit3A_317 = arith.constant 1.000000e+00 : f32
      %jit3A_318 = arith.constant 0.000000e+00 : f32
      %broadcast_in_dim3A_319 = vector.broadcast %jit3A_317 : f32 to vector<16xf32>
      %broadcast_in_dim3A_320 = vector.broadcast %jit3A_318 : f32 to vector<16xf32>
      %select_n3A_321 = arith.select %gt3A_316, %broadcast_in_dim3A_319, %broadcast_in_dim3A_320 : vector<16xi1>, vector<16xf32>
      %add3A_322 = arith.addf %select_n3A_312, %select_n3A_321 : vector<16xf32>
      %add3A_323 = arith.addf %add3A_313, %mul3A_175 : vector<16xf32>
      %gt3A_324 = arith.constant 0.000000e+00 : f32
      %gt3A_325 = vector.broadcast %gt3A_324 : f32 to vector<16xf32>
      %gt3A_326 = arith.cmpf ogt, %mul3A_175, %gt3A_325 : vector<16xf32>
      %jit3A_327 = arith.constant 1.000000e+00 : f32
      %jit3A_328 = arith.constant 0.000000e+00 : f32
      %broadcast_in_dim3A_329 = vector.broadcast %jit3A_327 : f32 to vector<16xf32>
      %broadcast_in_dim3A_330 = vector.broadcast %jit3A_328 : f32 to vector<16xf32>
      %select_n3A_331 = arith.select %gt3A_326, %broadcast_in_dim3A_329, %broadcast_in_dim3A_330 : vector<16xi1>, vector<16xf32>
      %add3A_332 = arith.addf %add3A_322, %select_n3A_331 : vector<16xf32>
      %add3A_333 = arith.addf %add3A_323, %mul3A_191 : vector<16xf32>
      %gt3A_334 = arith.constant 0.000000e+00 : f32
      %gt3A_335 = vector.broadcast %gt3A_334 : f32 to vector<16xf32>
      %gt3A_336 = arith.cmpf ogt, %mul3A_191, %gt3A_335 : vector<16xf32>
      %jit3A_337 = arith.constant 1.000000e+00 : f32
      %jit3A_338 = arith.constant 0.000000e+00 : f32
      %broadcast_in_dim3A_339 = vector.broadcast %jit3A_337 : f32 to vector<16xf32>
      %broadcast_in_dim3A_340 = vector.broadcast %jit3A_338 : f32 to vector<16xf32>
      %select_n3A_341 = arith.select %gt3A_336, %broadcast_in_dim3A_339, %broadcast_in_dim3A_340 : vector<16xi1>, vector<16xf32>
      %add3A_342 = arith.addf %add3A_332, %select_n3A_341 : vector<16xf32>
      %add3A_343 = arith.addf %add3A_299, %add3A_333 : vector<16xf32>
      %mul3A_344 = arith.mulf %add3A_333, %add3A_333 : vector<16xf32>
      %add3A_345 = arith.addf %add3A_301, %mul3A_344 : vector<16xf32>
      %add3A_346 = arith.addf %add3A_302, %add3A_342 : vector<16xf32>
      %mul3A_347 = arith.mulf %add3A_342, %add3A_342 : vector<16xf32>
      %add3A_348 = arith.addf %add3A_304, %mul3A_347 : vector<16xf32>
      %gt3A_349 = arith.constant 0.000000e+00 : f32
      %gt3A_350 = vector.broadcast %gt3A_349 : f32 to vector<16xf32>
      %gt3A_351 = arith.cmpf ogt, %mul3A_147, %gt3A_350 : vector<16xf32>
      %jit3A_352 = arith.constant 1.000000e+00 : f32
      %jit3A_353 = arith.constant 0.000000e+00 : f32
      %broadcast_in_dim3A_354 = vector.broadcast %jit3A_352 : f32 to vector<16xf32>
      %broadcast_in_dim3A_355 = vector.broadcast %jit3A_353 : f32 to vector<16xf32>
      %select_n3A_356 = arith.select %gt3A_351, %broadcast_in_dim3A_354, %broadcast_in_dim3A_355 : vector<16xi1>, vector<16xf32>
      %add3A_357 = arith.addf %mul3A_147, %mul3A_163 : vector<16xf32>
      %gt3A_358 = arith.constant 0.000000e+00 : f32
      %gt3A_359 = vector.broadcast %gt3A_358 : f32 to vector<16xf32>
      %gt3A_360 = arith.cmpf ogt, %mul3A_163, %gt3A_359 : vector<16xf32>
      %jit3A_361 = arith.constant 1.000000e+00 : f32
      %jit3A_362 = arith.constant 0.000000e+00 : f32
      %broadcast_in_dim3A_363 = vector.broadcast %jit3A_361 : f32 to vector<16xf32>
      %broadcast_in_dim3A_364 = vector.broadcast %jit3A_362 : f32 to vector<16xf32>
      %select_n3A_365 = arith.select %gt3A_360, %broadcast_in_dim3A_363, %broadcast_in_dim3A_364 : vector<16xi1>, vector<16xf32>
      %add3A_366 = arith.addf %select_n3A_356, %select_n3A_365 : vector<16xf32>
      %add3A_367 = arith.addf %add3A_357, %mul3A_179 : vector<16xf32>
      %gt3A_368 = arith.constant 0.000000e+00 : f32
      %gt3A_369 = vector.broadcast %gt3A_368 : f32 to vector<16xf32>
      %gt3A_370 = arith.cmpf ogt, %mul3A_179, %gt3A_369 : vector<16xf32>
      %jit3A_371 = arith.constant 1.000000e+00 : f32
      %jit3A_372 = arith.constant 0.000000e+00 : f32
      %broadcast_in_dim3A_373 = vector.broadcast %jit3A_371 : f32 to vector<16xf32>
      %broadcast_in_dim3A_374 = vector.broadcast %jit3A_372 : f32 to vector<16xf32>
      %select_n3A_375 = arith.select %gt3A_370, %broadcast_in_dim3A_373, %broadcast_in_dim3A_374 : vector<16xi1>, vector<16xf32>
      %add3A_376 = arith.addf %add3A_366, %select_n3A_375 : vector<16xf32>
      %add3A_377 = arith.addf %add3A_367, %mul3A_195 : vector<16xf32>
      %gt3A_378 = arith.constant 0.000000e+00 : f32
      %gt3A_379 = vector.broadcast %gt3A_378 : f32 to vector<16xf32>
      %gt3A_380 = arith.cmpf ogt, %mul3A_195, %gt3A_379 : vector<16xf32>
      %jit3A_381 = arith.constant 1.000000e+00 : f32
      %jit3A_382 = arith.constant 0.000000e+00 : f32
      %broadcast_in_dim3A_383 = vector.broadcast %jit3A_381 : f32 to vector<16xf32>
      %broadcast_in_dim3A_384 = vector.broadcast %jit3A_382 : f32 to vector<16xf32>
      %select_n3A_385 = arith.select %gt3A_380, %broadcast_in_dim3A_383, %broadcast_in_dim3A_384 : vector<16xi1>, vector<16xf32>
      %add3A_386 = arith.addf %add3A_376, %select_n3A_385 : vector<16xf32>
      %add3A_387 = arith.addf %add3A_343, %add3A_377 : vector<16xf32>
      %mul3A_388 = arith.mulf %add3A_377, %add3A_377 : vector<16xf32>
      %add3A_389 = arith.addf %add3A_345, %mul3A_388 : vector<16xf32>
      %add3A_390 = arith.addf %add3A_346, %add3A_386 : vector<16xf32>
      %mul3A_391 = arith.mulf %add3A_386, %add3A_386 : vector<16xf32>
      %add3A_392 = arith.addf %add3A_348, %mul3A_391 : vector<16xf32>
      %gt3A_393 = arith.constant 0.000000e+00 : f32
      %gt3A_394 = vector.broadcast %gt3A_393 : f32 to vector<16xf32>
      %gt3A_395 = arith.cmpf ogt, %mul3A_151, %gt3A_394 : vector<16xf32>
      %jit3A_396 = arith.constant 1.000000e+00 : f32
      %jit3A_397 = arith.constant 0.000000e+00 : f32
      %broadcast_in_dim3A_398 = vector.broadcast %jit3A_396 : f32 to vector<16xf32>
      %broadcast_in_dim3A_399 = vector.broadcast %jit3A_397 : f32 to vector<16xf32>
      %select_n3A_400 = arith.select %gt3A_395, %broadcast_in_dim3A_398, %broadcast_in_dim3A_399 : vector<16xi1>, vector<16xf32>
      %add3A_401 = arith.addf %mul3A_151, %mul3A_167 : vector<16xf32>
      %gt3A_402 = arith.constant 0.000000e+00 : f32
      %gt3A_403 = vector.broadcast %gt3A_402 : f32 to vector<16xf32>
      %gt3A_404 = arith.cmpf ogt, %mul3A_167, %gt3A_403 : vector<16xf32>
      %jit3A_405 = arith.constant 1.000000e+00 : f32
      %jit3A_406 = arith.constant 0.000000e+00 : f32
      %broadcast_in_dim3A_407 = vector.broadcast %jit3A_405 : f32 to vector<16xf32>
      %broadcast_in_dim3A_408 = vector.broadcast %jit3A_406 : f32 to vector<16xf32>
      %select_n3A_409 = arith.select %gt3A_404, %broadcast_in_dim3A_407, %broadcast_in_dim3A_408 : vector<16xi1>, vector<16xf32>
      %add3A_410 = arith.addf %select_n3A_400, %select_n3A_409 : vector<16xf32>
      %add3A_411 = arith.addf %add3A_401, %mul3A_183 : vector<16xf32>
      %gt3A_412 = arith.constant 0.000000e+00 : f32
      %gt3A_413 = vector.broadcast %gt3A_412 : f32 to vector<16xf32>
      %gt3A_414 = arith.cmpf ogt, %mul3A_183, %gt3A_413 : vector<16xf32>
      %jit3A_415 = arith.constant 1.000000e+00 : f32
      %jit3A_416 = arith.constant 0.000000e+00 : f32
      %broadcast_in_dim3A_417 = vector.broadcast %jit3A_415 : f32 to vector<16xf32>
      %broadcast_in_dim3A_418 = vector.broadcast %jit3A_416 : f32 to vector<16xf32>
      %select_n3A_419 = arith.select %gt3A_414, %broadcast_in_dim3A_417, %broadcast_in_dim3A_418 : vector<16xi1>, vector<16xf32>
      %add3A_420 = arith.addf %add3A_410, %select_n3A_419 : vector<16xf32>
      %add3A_421 = arith.addf %add3A_411, %mul3A_199 : vector<16xf32>
      %gt3A_422 = arith.constant 0.000000e+00 : f32
      %gt3A_423 = vector.broadcast %gt3A_422 : f32 to vector<16xf32>
      %gt3A_424 = arith.cmpf ogt, %mul3A_199, %gt3A_423 : vector<16xf32>
      %jit3A_425 = arith.constant 1.000000e+00 : f32
      %jit3A_426 = arith.constant 0.000000e+00 : f32
      %broadcast_in_dim3A_427 = vector.broadcast %jit3A_425 : f32 to vector<16xf32>
      %broadcast_in_dim3A_428 = vector.broadcast %jit3A_426 : f32 to vector<16xf32>
      %select_n3A_429 = arith.select %gt3A_424, %broadcast_in_dim3A_427, %broadcast_in_dim3A_428 : vector<16xi1>, vector<16xf32>
      %add3A_430 = arith.addf %add3A_420, %select_n3A_429 : vector<16xf32>
      %add3A_431 = arith.addf %add3A_387, %add3A_421 : vector<16xf32>
      %mul3A_432 = arith.mulf %add3A_421, %add3A_421 : vector<16xf32>
      %add3A_433 = arith.addf %add3A_389, %mul3A_432 : vector<16xf32>
      %add3A_434 = arith.addf %add3A_390, %add3A_430 : vector<16xf32>
      %mul3A_435 = arith.mulf %add3A_430, %add3A_430 : vector<16xf32>
      %add3A_436 = arith.addf %add3A_392, %mul3A_435 : vector<16xf32>
      %xor3A = arith.constant 8 : i32
      %xor3A_437 = vector.broadcast %xor3A : i32 to vector<16xi32>
      %xor3A_438 = arith.xori %iota3A, %xor3A_437 : vector<16xi32>
      %broadcast_in_dim3A_439 = vector.shape_cast %xor3A_438 : vector<16xi32> to vector<16x1xi32>
      %gather3A = vector.shape_cast %broadcast_in_dim3A_439 : vector<16x1xi32> to vector<16xi32>
      %gather3A_440 = tpu.dynamic_gather %add3A_431[%gather3A] in [0] : vector<16xf32>, vector<16xi32> -> vector<16xf32>
      %add3A_441 = arith.addf %add3A_431, %gather3A_440 : vector<16xf32>
      %xor3A_442 = arith.constant 4 : i32
      %xor3A_443 = vector.broadcast %xor3A_442 : i32 to vector<16xi32>
      %xor3A_444 = arith.xori %iota3A, %xor3A_443 : vector<16xi32>
      %broadcast_in_dim3A_445 = vector.shape_cast %xor3A_444 : vector<16xi32> to vector<16x1xi32>
      %gather3A_446 = vector.shape_cast %broadcast_in_dim3A_445 : vector<16x1xi32> to vector<16xi32>
      %gather3A_447 = tpu.dynamic_gather %add3A_441[%gather3A_446] in [0] : vector<16xf32>, vector<16xi32> -> vector<16xf32>
      %add3A_448 = arith.addf %add3A_441, %gather3A_447 : vector<16xf32>
      %xor3A_449 = arith.constant 2 : i32
      %xor3A_450 = vector.broadcast %xor3A_449 : i32 to vector<16xi32>
      %xor3A_451 = arith.xori %iota3A, %xor3A_450 : vector<16xi32>
      %broadcast_in_dim3A_452 = vector.shape_cast %xor3A_451 : vector<16xi32> to vector<16x1xi32>
      %gather3A_453 = vector.shape_cast %broadcast_in_dim3A_452 : vector<16x1xi32> to vector<16xi32>
      %gather3A_454 = tpu.dynamic_gather %add3A_448[%gather3A_453] in [0] : vector<16xf32>, vector<16xi32> -> vector<16xf32>
      %add3A_455 = arith.addf %add3A_448, %gather3A_454 : vector<16xf32>
      %xor3A_456 = arith.constant 1 : i32
      %xor3A_457 = vector.broadcast %xor3A_456 : i32 to vector<16xi32>
      %xor3A_458 = arith.xori %iota3A, %xor3A_457 : vector<16xi32>
      %broadcast_in_dim3A_459 = vector.shape_cast %xor3A_458 : vector<16xi32> to vector<16x1xi32>
      %gather3A_460 = vector.shape_cast %broadcast_in_dim3A_459 : vector<16x1xi32> to vector<16xi32>
      %gather3A_461 = tpu.dynamic_gather %add3A_455[%gather3A_460] in [0] : vector<16xf32>, vector<16xi32> -> vector<16xf32>
      %add3A_462 = arith.addf %add3A_455, %gather3A_461 : vector<16xf32>
      %xor3A_463 = arith.constant 8 : i32
      %xor3A_464 = vector.broadcast %xor3A_463 : i32 to vector<16xi32>
      %xor3A_465 = arith.xori %iota3A, %xor3A_464 : vector<16xi32>
      %broadcast_in_dim3A_466 = vector.shape_cast %xor3A_465 : vector<16xi32> to vector<16x1xi32>
      %gather3A_467 = vector.shape_cast %broadcast_in_dim3A_466 : vector<16x1xi32> to vector<16xi32>
      %gather3A_468 = tpu.dynamic_gather %add3A_433[%gather3A_467] in [0] : vector<16xf32>, vector<16xi32> -> vector<16xf32>
      %add3A_469 = arith.addf %add3A_433, %gather3A_468 : vector<16xf32>
      %xor3A_470 = arith.constant 4 : i32
      %xor3A_471 = vector.broadcast %xor3A_470 : i32 to vector<16xi32>
      %xor3A_472 = arith.xori %iota3A, %xor3A_471 : vector<16xi32>
      %broadcast_in_dim3A_473 = vector.shape_cast %xor3A_472 : vector<16xi32> to vector<16x1xi32>
      %gather3A_474 = vector.shape_cast %broadcast_in_dim3A_473 : vector<16x1xi32> to vector<16xi32>
      %gather3A_475 = tpu.dynamic_gather %add3A_469[%gather3A_474] in [0] : vector<16xf32>, vector<16xi32> -> vector<16xf32>
      %add3A_476 = arith.addf %add3A_469, %gather3A_475 : vector<16xf32>
      %xor3A_477 = arith.constant 2 : i32
      %xor3A_478 = vector.broadcast %xor3A_477 : i32 to vector<16xi32>
      %xor3A_479 = arith.xori %iota3A, %xor3A_478 : vector<16xi32>
      %broadcast_in_dim3A_480 = vector.shape_cast %xor3A_479 : vector<16xi32> to vector<16x1xi32>
      %gather3A_481 = vector.shape_cast %broadcast_in_dim3A_480 : vector<16x1xi32> to vector<16xi32>
      %gather3A_482 = tpu.dynamic_gather %add3A_476[%gather3A_481] in [0] : vector<16xf32>, vector<16xi32> -> vector<16xf32>
      %add3A_483 = arith.addf %add3A_476, %gather3A_482 : vector<16xf32>
      %xor3A_484 = arith.constant 1 : i32
      %xor3A_485 = vector.broadcast %xor3A_484 : i32 to vector<16xi32>
      %xor3A_486 = arith.xori %iota3A, %xor3A_485 : vector<16xi32>
      %broadcast_in_dim3A_487 = vector.shape_cast %xor3A_486 : vector<16xi32> to vector<16x1xi32>
      %gather3A_488 = vector.shape_cast %broadcast_in_dim3A_487 : vector<16x1xi32> to vector<16xi32>
      %gather3A_489 = tpu.dynamic_gather %add3A_483[%gather3A_488] in [0] : vector<16xf32>, vector<16xi32> -> vector<16xf32>
      %add3A_490 = arith.addf %add3A_483, %gather3A_489 : vector<16xf32>
      %xor3A_491 = arith.constant 8 : i32
      %xor3A_492 = vector.broadcast %xor3A_491 : i32 to vector<16xi32>
      %xor3A_493 = arith.xori %iota3A, %xor3A_492 : vector<16xi32>
      %broadcast_in_dim3A_494 = vector.shape_cast %xor3A_493 : vector<16xi32> to vector<16x1xi32>
      %gather3A_495 = vector.shape_cast %broadcast_in_dim3A_494 : vector<16x1xi32> to vector<16xi32>
      %gather3A_496 = tpu.dynamic_gather %add3A_434[%gather3A_495] in [0] : vector<16xf32>, vector<16xi32> -> vector<16xf32>
      %add3A_497 = arith.addf %add3A_434, %gather3A_496 : vector<16xf32>
      %xor3A_498 = arith.constant 4 : i32
      %xor3A_499 = vector.broadcast %xor3A_498 : i32 to vector<16xi32>
      %xor3A_500 = arith.xori %iota3A, %xor3A_499 : vector<16xi32>
      %broadcast_in_dim3A_501 = vector.shape_cast %xor3A_500 : vector<16xi32> to vector<16x1xi32>
      %gather3A_502 = vector.shape_cast %broadcast_in_dim3A_501 : vector<16x1xi32> to vector<16xi32>
      %gather3A_503 = tpu.dynamic_gather %add3A_497[%gather3A_502] in [0] : vector<16xf32>, vector<16xi32> -> vector<16xf32>
      %add3A_504 = arith.addf %add3A_497, %gather3A_503 : vector<16xf32>
      %xor3A_505 = arith.constant 2 : i32
      %xor3A_506 = vector.broadcast %xor3A_505 : i32 to vector<16xi32>
      %xor3A_507 = arith.xori %iota3A, %xor3A_506 : vector<16xi32>
      %broadcast_in_dim3A_508 = vector.shape_cast %xor3A_507 : vector<16xi32> to vector<16x1xi32>
      %gather3A_509 = vector.shape_cast %broadcast_in_dim3A_508 : vector<16x1xi32> to vector<16xi32>
      %gather3A_510 = tpu.dynamic_gather %add3A_504[%gather3A_509] in [0] : vector<16xf32>, vector<16xi32> -> vector<16xf32>
      %add3A_511 = arith.addf %add3A_504, %gather3A_510 : vector<16xf32>
      %xor3A_512 = arith.constant 1 : i32
      %xor3A_513 = vector.broadcast %xor3A_512 : i32 to vector<16xi32>
      %xor3A_514 = arith.xori %iota3A, %xor3A_513 : vector<16xi32>
      %broadcast_in_dim3A_515 = vector.shape_cast %xor3A_514 : vector<16xi32> to vector<16x1xi32>
      %gather3A_516 = vector.shape_cast %broadcast_in_dim3A_515 : vector<16x1xi32> to vector<16xi32>
      %gather3A_517 = tpu.dynamic_gather %add3A_511[%gather3A_516] in [0] : vector<16xf32>, vector<16xi32> -> vector<16xf32>
      %add3A_518 = arith.addf %add3A_511, %gather3A_517 : vector<16xf32>
      %xor3A_519 = arith.constant 8 : i32
      %xor3A_520 = vector.broadcast %xor3A_519 : i32 to vector<16xi32>
      %xor3A_521 = arith.xori %iota3A, %xor3A_520 : vector<16xi32>
      %broadcast_in_dim3A_522 = vector.shape_cast %xor3A_521 : vector<16xi32> to vector<16x1xi32>
      %gather3A_523 = vector.shape_cast %broadcast_in_dim3A_522 : vector<16x1xi32> to vector<16xi32>
      %gather3A_524 = tpu.dynamic_gather %add3A_436[%gather3A_523] in [0] : vector<16xf32>, vector<16xi32> -> vector<16xf32>
      %add3A_525 = arith.addf %add3A_436, %gather3A_524 : vector<16xf32>
      %xor3A_526 = arith.constant 4 : i32
      %xor3A_527 = vector.broadcast %xor3A_526 : i32 to vector<16xi32>
      %xor3A_528 = arith.xori %iota3A, %xor3A_527 : vector<16xi32>
      %broadcast_in_dim3A_529 = vector.shape_cast %xor3A_528 : vector<16xi32> to vector<16x1xi32>
      %gather3A_530 = vector.shape_cast %broadcast_in_dim3A_529 : vector<16x1xi32> to vector<16xi32>
      %gather3A_531 = tpu.dynamic_gather %add3A_525[%gather3A_530] in [0] : vector<16xf32>, vector<16xi32> -> vector<16xf32>
      %add3A_532 = arith.addf %add3A_525, %gather3A_531 : vector<16xf32>
      %xor3A_533 = arith.constant 2 : i32
      %xor3A_534 = vector.broadcast %xor3A_533 : i32 to vector<16xi32>
      %xor3A_535 = arith.xori %iota3A, %xor3A_534 : vector<16xi32>
      %broadcast_in_dim3A_536 = vector.shape_cast %xor3A_535 : vector<16xi32> to vector<16x1xi32>
      %gather3A_537 = vector.shape_cast %broadcast_in_dim3A_536 : vector<16x1xi32> to vector<16xi32>
      %gather3A_538 = tpu.dynamic_gather %add3A_532[%gather3A_537] in [0] : vector<16xf32>, vector<16xi32> -> vector<16xf32>
      %add3A_539 = arith.addf %add3A_532, %gather3A_538 : vector<16xf32>
      %xor3A_540 = arith.constant 1 : i32
      %xor3A_541 = vector.broadcast %xor3A_540 : i32 to vector<16xi32>
      %xor3A_542 = arith.xori %iota3A, %xor3A_541 : vector<16xi32>
      %broadcast_in_dim3A_543 = vector.shape_cast %xor3A_542 : vector<16xi32> to vector<16x1xi32>
      %gather3A_544 = vector.shape_cast %broadcast_in_dim3A_543 : vector<16x1xi32> to vector<16xi32>
      %gather3A_545 = tpu.dynamic_gather %add3A_539[%gather3A_544] in [0] : vector<16xf32>, vector<16xi32> -> vector<16xf32>
      %add3A_546 = arith.addf %add3A_539, %gather3A_545 : vector<16xf32>
      %div3A_547 = arith.constant 1.310720e+05 : f32
      %div3A_548 = vector.broadcast %div3A_547 : f32 to vector<16xf32>
      %div3A_549 = arith.divf %add3A_462, %div3A_548 : vector<16xf32>
      %mul3A_550 = arith.constant 1.310720e+05 : f32
      %mul3A_551 = vector.broadcast %mul3A_550 : f32 to vector<16xf32>
      %mul3A_552 = arith.mulf %mul3A_551, %div3A_549 : vector<16xf32>
      %mul3A_553 = arith.mulf %mul3A_552, %div3A_549 : vector<16xf32>
      %sub3A = arith.subf %add3A_490, %mul3A_553 : vector<16xf32>
      %div3A_554 = arith.constant 1.310710e+05 : f32
      %div3A_555 = vector.broadcast %div3A_554 : f32 to vector<16xf32>
      %div3A_556 = arith.divf %sub3A, %div3A_555 : vector<16xf32>
      %mul3A_557 = arith.mulf %div3A_549, %div3A_549 : vector<16xf32>
      %add3A_558 = arith.constant 1.000000e-10 : f32
      %add3A_559 = vector.broadcast %add3A_558 : f32 to vector<16xf32>
      %add3A_560 = arith.addf %mul3A_557, %add3A_559 : vector<16xf32>
      %div3A_561 = arith.divf %div3A_556, %add3A_560 : vector<16xf32>
      %div3A_562 = arith.constant 1.310720e+05 : f32
      %div3A_563 = vector.broadcast %div3A_562 : f32 to vector<16xf32>
      %div3A_564 = arith.divf %add3A_518, %div3A_563 : vector<16xf32>
      %mul3A_565 = arith.constant 1.310720e+05 : f32
      %mul3A_566 = vector.broadcast %mul3A_565 : f32 to vector<16xf32>
      %mul3A_567 = arith.mulf %mul3A_566, %div3A_564 : vector<16xf32>
      %mul3A_568 = arith.mulf %mul3A_567, %div3A_564 : vector<16xf32>
      %sub3A_569 = arith.subf %add3A_546, %mul3A_568 : vector<16xf32>
      %div3A_570 = arith.constant 1.310710e+05 : f32
      %div3A_571 = vector.broadcast %div3A_570 : f32 to vector<16xf32>
      %div3A_572 = arith.divf %sub3A_569, %div3A_571 : vector<16xf32>
      %mul3A_573 = arith.mulf %div3A_564, %div3A_564 : vector<16xf32>
      %add3A_574 = arith.constant 1.000000e-10 : f32
      %add3A_575 = vector.broadcast %add3A_574 : f32 to vector<16xf32>
      %add3A_576 = arith.addf %mul3A_573, %add3A_575 : vector<16xf32>
      %div3A_577 = arith.divf %div3A_572, %add3A_576 : vector<16xf32>
      %add3A_578 = arith.addf %div3A_561, %div3A_577 : vector<16xf32>
      %eq3A_579 = arith.constant 0 : i32
      %eq3A_580 = vector.broadcast %eq3A_579 : i32 to vector<16xi32>
      %eq3A_581 = arith.cmpi eq, %iota3A, %eq3A_580 : vector<16xi32>
      %select_n3A_582 = arith.select %eq3A_581, %add3A_578, %broadcast_in_dim3A_263 : vector<16xi1>, vector<16xf32>
      %swap3A_583 = arith.constant 0 : index
      %swap3A_584 = tpu.vector_load %arg9[%swap3A_583] {strides = array<i32>} : memref<16xf32, #tpu.memory_space<vmem>>, vector<16xf32>,
      %swap3A_585 = vector.shape_cast %swap3A_584 : vector<16xf32> to vector<16xf32>
      %swap3A_586 = vector.shape_cast %select_n3A_582 : vector<16xf32> to vector<16xf32>
      tpu.vector_store %arg9[%swap3A_583], %swap3A_586 {strides = array<i32>} : memref<16xf32, #tpu.memory_space<vmem>>, vector<16xf32>,
      "tpu.region"() ({
        %run_scoped3A = tpu.sem_alloc : memref<!tpu.dma_semaphore, #tpu.memory_space<semaphore_mem>>
        tpu.enqueue_dma source(%arg8 : memref<256xf32, #tpu.memory_space<vmem>>) target(%arg4 : memref<256xf32, #tpu.memory_space<hbm>>) target_semaphore(%run_scoped3A : memref<!tpu.dma_semaphore, #tpu.memory_space<semaphore_mem>>)
        tpu.wait_dma2 semaphore(%run_scoped3A : memref<!tpu.dma_semaphore, #tpu.memory_space<semaphore_mem>>) src(%arg8 : memref<256xf32, #tpu.memory_space<vmem>>) dst(%arg4 : memref<256xf32, #tpu.memory_space<hbm>>)
        tpu.yield
      }) : () -> ()
      "tpu.region"() ({
        %run_scoped3A = tpu.sem_alloc : memref<!tpu.dma_semaphore, #tpu.memory_space<semaphore_mem>>
        tpu.enqueue_dma source(%arg9 : memref<16xf32, #tpu.memory_space<vmem>>) target(%arg5 : memref<16xf32, #tpu.memory_space<hbm>>) target_semaphore(%run_scoped3A : memref<!tpu.dma_semaphore, #tpu.memory_space<semaphore_mem>>)
        tpu.wait_dma2 semaphore(%run_scoped3A : memref<!tpu.dma_semaphore, #tpu.memory_space<semaphore_mem>>) src(%arg9 : memref<16xf32, #tpu.memory_space<vmem>>) dst(%arg5 : memref<16xf32, #tpu.memory_space<hbm>>)
        tpu.yield
      }) : () -> ()
    } else {
    }
    return
  }
}

module attributes {stable_mosaic.version = 14 : i64} {
  func.func @_gate_kernel(%arg0: i32, %arg1: i32, %arg2: memref<1x1024x2048xf32, #tpu.memory_space<vmem>>, %arg3: memref<64x2048xf32, #tpu.memory_space<vmem>>, %arg4: memref<1x64xf32, #tpu.memory_space<vmem>>, %arg5: memref<4x64xf32, #tpu.memory_space<vmem>>, %arg6: memref<4x64xf32, #tpu.memory_space<vmem>>, %arg7: memref<4x64xf32, #tpu.memory_space<vmem>>, %arg8: memref<4x64xf32, #tpu.memory_space<vmem>>) attributes {dimension_semantics = [#tpu.dimension_semantics<arbitrary>, #tpu.dimension_semantics<arbitrary>], iteration_bounds = array<i64: 4, 2>, scalar_prefetch = 0 : i64, scratch_operands = 2 : i64, tpu.core_type = #tpu.core_type<tc>, window_params = [{transform_indices = @transform_0, window_bounds = array<i64: 1, 1024, 2048>}, {pipeline_mode = #tpu.pipeline_mode<synchronous>, transform_indices = @transform_1, window_bounds = array<i64: 64, 2048>}, {pipeline_mode = #tpu.pipeline_mode<synchronous>, transform_indices = @transform_2, window_bounds = array<i64: 1, 64>}, {pipeline_mode = #tpu.pipeline_mode<synchronous>, transform_indices = @transform_3, window_bounds = array<i64: 4, 64>}, {pipeline_mode = #tpu.pipeline_mode<synchronous>, transform_indices = @transform_4, window_bounds = array<i64: 4, 64>}]} {
    %get3A = arith.constant 0 : index
    %get3A_0 = arith.constant 0 : index
    %get3A_1 = arith.constant 0 : index
    %get3A_2 = vector.load %arg2[%get3A, %get3A_0, %get3A_1] : memref<1x1024x2048xf32, #tpu.memory_space<vmem>>, vector<1x1024x2048xf32>
    %get3A_3 = vector.shape_cast %get3A_2 : vector<1x1024x2048xf32> to vector<1024x2048xf32>
    %get3A_4 = arith.constant 0 : index
    %get3A_5 = arith.constant 0 : index
    %get3A_6 = vector.load %arg3[%get3A_4, %get3A_5] : memref<64x2048xf32, #tpu.memory_space<vmem>>, vector<64x2048xf32>
    %dot_general3A = arith.constant dense<0.000000e+00> : vector<1024x64xf32>
    %dot_general3A_7 = tpu.matmul %get3A_3, %get3A_6, %dot_general3A {dimension_numbers = #tpu.dot_dimension_numbers<[1], [1], [0], [0], [0, 0, 1, 0], [], []>, transpose_lhs_hint = false} : vector<1024x2048xf32>, vector<64x2048xf32>, vector<1024x64xf32> -> vector<1024x64xf32>
    %get3A_8 = arith.constant 0 : index
    %get3A_9 = arith.constant 0 : index
    %get3A_10 = vector.load %arg4[%get3A_8, %get3A_9] : memref<1x64xf32, #tpu.memory_space<vmem>>, vector<1x64xf32>
    %get3A_11 = vector.shape_cast %get3A_10 : vector<1x64xf32> to vector<64xf32>
    %broadcast_in_dim3A = vector.shape_cast %get3A_11 : vector<64xf32> to vector<1x64xf32>
    %add3A = vector.broadcast %broadcast_in_dim3A : vector<1x64xf32> to vector<1024x64xf32>
    %add3A_12 = arith.addf %dot_general3A_7, %add3A : vector<1024x64xf32>
    %reduce_max3A = arith.constant dense<0xFF800000> : vector<1024xf32>
    %reduce_max3A_13 = vector.multi_reduction <maximumf>, %add3A_12, %reduce_max3A [1] : vector<1024x64xf32> to vector<1024xf32>
    %broadcast_in_dim3A_14 = vector.shape_cast %reduce_max3A_13 : vector<1024xf32> to vector<1024x1xf32>
    %iota3A = tpu.iota {dimensions = array<i32: 1>} : vector<1024x64xi32>
    %eq3A = vector.broadcast %broadcast_in_dim3A_14 : vector<1024x1xf32> to vector<1024x64xf32>
    %eq3A_15 = arith.cmpf oeq, %add3A_12, %eq3A : vector<1024x64xf32>
    %jit3A = arith.constant 64 : i32
    %broadcast_in_dim3A_16 = vector.broadcast %jit3A : i32 to vector<1024x64xi32>
    %select_n3A = arith.select %eq3A_15, %iota3A, %broadcast_in_dim3A_16 : vector<1024x64xi1>, vector<1024x64xi32>
    %reduce_min3A = arith.constant dense<2147483647> : vector<1024xi32>
    %reduce_min3A_17 = vector.multi_reduction <minsi>, %select_n3A, %reduce_min3A [1] : vector<1024x64xi32> to vector<1024xi32>
    %broadcast_in_dim3A_18 = vector.shape_cast %reduce_min3A_17 : vector<1024xi32> to vector<1024x1xi32>
    %eq3A_19 = vector.broadcast %broadcast_in_dim3A_18 : vector<1024x1xi32> to vector<1024x64xi32>
    %eq3A_20 = arith.cmpi eq, %iota3A, %eq3A_19 : vector<1024x64xi32>
    %convert_element_type3A = arith.extui %eq3A_20 : vector<1024x64xi1> to vector<1024x64xi32>
    %convert_element_type3A_21 = arith.sitofp %convert_element_type3A : vector<1024x64xi32> to vector<1024x64xf32>
    %reduce_max3A_22 = arith.constant dense<0xFF800000> : vector<64xf32>
    %reduce_max3A_23 = vector.multi_reduction <maximumf>, %convert_element_type3A_21, %reduce_max3A_22 [0] : vector<1024x64xf32> to vector<64xf32>
    %broadcast_in_dim3A_24 = vector.shape_cast %reduce_max3A_23 : vector<64xf32> to vector<1x64xf32>
    %eq3A_25 = arith.constant 0 : i32
    %eq3A_26 = arith.cmpi eq, %arg1, %eq3A_25 : i32
    %convert_element_type3A_27 = arith.extui %eq3A_26 : i1 to i32
    %cond3A = arith.constant 0 : i32
    %cond3A_28 = arith.cmpi ne, %convert_element_type3A_27, %cond3A : i32
    scf.if %cond3A_28 {
      %swap3A = arith.index_cast %arg0 : i32 to index
      %swap3A_40 = arith.constant 0 : index
      %swap3A_41 = vector.load %arg7[%swap3A, %swap3A_40] : memref<4x64xf32, #tpu.memory_space<vmem>>, vector<1x64xf32>
      tpu.vector_store %arg7[%swap3A, %swap3A_40], %broadcast_in_dim3A_24 {strides = array<i32>} : memref<4x64xf32, #tpu.memory_space<vmem>>, vector<1x64xf32>,
      %slice3A = vector.extract_strided_slice %add3A_12 {offsets = [0, 0], sizes = [64, 64], strides = [1, 1]} : vector<1024x64xf32> to vector<64x64xf32>
      %reduce_max3A_42 = arith.constant dense<0xFF800000> : vector<64xf32>
      %reduce_max3A_43 = vector.multi_reduction <maximumf>, %slice3A, %reduce_max3A_42 [1] : vector<64x64xf32> to vector<64xf32>
      %broadcast_in_dim3A_44 = vector.shape_cast %reduce_max3A_43 : vector<64xf32> to vector<64x1xf32>
      %sub3A = vector.broadcast %broadcast_in_dim3A_44 : vector<64x1xf32> to vector<64x64xf32>
      %sub3A_45 = arith.subf %slice3A, %sub3A : vector<64x64xf32>
      %exp3A = math.exp %sub3A_45 : vector<64x64xf32>
      %reduce_sum3A = arith.constant dense<0.000000e+00> : vector<64xf32>
      %reduce_sum3A_46 = vector.multi_reduction <add>, %exp3A, %reduce_sum3A [1] : vector<64x64xf32> to vector<64xf32>
      %broadcast_in_dim3A_47 = vector.shape_cast %reduce_sum3A_46 : vector<64xf32> to vector<64x1xf32>
      %slice3A_48 = vector.extract_strided_slice %exp3A {offsets = [0, 0], sizes = [64, 1], strides = [1, 1]} : vector<64x64xf32> to vector<64x1xf32>
      %div3A = arith.divf %slice3A_48, %broadcast_in_dim3A_47 : vector<64x1xf32>
      %reshape3A = vector.shape_cast %div3A : vector<64x1xf32> to vector<1x64xf32>
      %swap3A_49 = arith.index_cast %arg0 : i32 to index
      %swap3A_50 = arith.constant 0 : index
      %swap3A_51 = vector.load %arg8[%swap3A_49, %swap3A_50] : memref<4x64xf32, #tpu.memory_space<vmem>>, vector<1x64xf32>
      tpu.vector_store %arg8[%swap3A_49, %swap3A_50], %reshape3A {strides = array<i32>} : memref<4x64xf32, #tpu.memory_space<vmem>>, vector<1x64xf32>,
    } else {
    }
    %ne3A = arith.constant 0 : i32
    %ne3A_29 = arith.cmpi ne, %arg1, %ne3A : i32
    %convert_element_type3A_30 = arith.extui %ne3A_29 : i1 to i32
    %cond3A_31 = arith.constant 0 : i32
    %cond3A_32 = arith.cmpi ne, %convert_element_type3A_30, %cond3A_31 : i32
    scf.if %cond3A_32 {
      %get3A_40 = arith.index_cast %arg0 : i32 to index
      %get3A_41 = arith.constant 0 : index
      %get3A_42 = vector.load %arg7[%get3A_40, %get3A_41] : memref<4x64xf32, #tpu.memory_space<vmem>>, vector<1x64xf32>
      %max3A = arith.maximumf %get3A_42, %broadcast_in_dim3A_24 : vector<1x64xf32>
      %swap3A = arith.index_cast %arg0 : i32 to index
      %swap3A_43 = arith.constant 0 : index
      %swap3A_44 = vector.load %arg7[%swap3A, %swap3A_43] : memref<4x64xf32, #tpu.memory_space<vmem>>, vector<1x64xf32>
      tpu.vector_store %arg7[%swap3A, %swap3A_43], %max3A {strides = array<i32>} : memref<4x64xf32, #tpu.memory_space<vmem>>, vector<1x64xf32>,
    } else {
    }
    %eq3A_33 = arith.constant 3 : i32
    %eq3A_34 = arith.cmpi eq, %arg0, %eq3A_33 : i32
    %eq3A_35 = arith.constant 1 : i32
    %eq3A_36 = arith.cmpi eq, %arg1, %eq3A_35 : i32
    %and3A = arith.andi %eq3A_34, %eq3A_36 : i1
    %convert_element_type3A_37 = arith.extui %and3A : i1 to i32
    %cond3A_38 = arith.constant 0 : i32
    %cond3A_39 = arith.cmpi ne, %convert_element_type3A_37, %cond3A_38 : i32
    scf.if %cond3A_39 {
      %get3A_40 = arith.constant 0 : index
      %get3A_41 = arith.constant 0 : index
      %get3A_42 = vector.load %arg7[%get3A_40, %get3A_41] : memref<4x64xf32, #tpu.memory_space<vmem>>, vector<4x64xf32>
      %swap3A = arith.constant 0 : index
      %swap3A_43 = arith.constant 0 : index
      %swap3A_44 = vector.load %arg5[%swap3A, %swap3A_43] : memref<4x64xf32, #tpu.memory_space<vmem>>, vector<4x64xf32>
      tpu.vector_store %arg5[%swap3A, %swap3A_43], %get3A_42 {strides = array<i32>} : memref<4x64xf32, #tpu.memory_space<vmem>>, vector<4x64xf32>,
      %get3A_45 = arith.constant 0 : index
      %get3A_46 = arith.constant 0 : index
      %get3A_47 = vector.load %arg8[%get3A_45, %get3A_46] : memref<4x64xf32, #tpu.memory_space<vmem>>, vector<4x64xf32>
      %swap3A_48 = arith.constant 0 : index
      %swap3A_49 = arith.constant 0 : index
      %swap3A_50 = vector.load %arg6[%swap3A_48, %swap3A_49] : memref<4x64xf32, #tpu.memory_space<vmem>>, vector<4x64xf32>
      tpu.vector_store %arg6[%swap3A_48, %swap3A_49], %get3A_47 {strides = array<i32>} : memref<4x64xf32, #tpu.memory_space<vmem>>, vector<4x64xf32>,
    } else {
    }
    return
  }
  func.func @transform_0(%arg0: i32, %arg1: i32) -> (i32, i32, i32) {
    %c0_i32 = arith.constant 0 : i32
    %c0_i32_0 = arith.constant 0 : i32
    return %arg0, %arg1, %c0_i32 : i32, i32, i32
  }
  func.func @transform_1(%arg0: i32, %arg1: i32) -> (i32, i32) {
    %c0_i32 = arith.constant 0 : i32
    %c0_i32_0 = arith.constant 0 : i32
    %c0_i32_1 = arith.constant 0 : i32
    return %c0_i32, %c0_i32_0 : i32, i32
  }
  func.func @transform_2(%arg0: i32, %arg1: i32) -> (i32, i32) {
    %c0_i32 = arith.constant 0 : i32
    %c0_i32_0 = arith.constant 0 : i32
    %c0_i32_1 = arith.constant 0 : i32
    return %c0_i32, %c0_i32_0 : i32, i32
  }
  func.func @transform_3(%arg0: i32, %arg1: i32) -> (i32, i32) {
    %c0_i32 = arith.constant 0 : i32
    %c0_i32_0 = arith.constant 0 : i32
    %c0_i32_1 = arith.constant 0 : i32
    return %c0_i32, %c0_i32_0 : i32, i32
  }
  func.func @transform_4(%arg0: i32, %arg1: i32) -> (i32, i32) {
    %c0_i32 = arith.constant 0 : i32
    %c0_i32_0 = arith.constant 0 : i32
    %c0_i32_1 = arith.constant 0 : i32
    return %c0_i32, %c0_i32_0 : i32, i32
  }
}

</mosaic_0001>

<sc_bundles>
// kernel: kernel.4.cloned.1.call-start
scs
__scs_entry_jumppad:
0x0: {  	(pc) =	sbr.rel $0x88, $3  }
0x1: {  	(tag) =	ssettag $0x0;
	lr =	simm.s32 $0x1  }
0x2: {  	[smem:$0x3F9E] =	sst lr;
	_ =	strace $0xD0000000  }
0x3: {  	_ = 	snop  }
0x4: {  	_ = 	snop  }
0x5: {  	_ = 	snop  }
0x6: {  	_ = 	snop  }
0x7: {  	_ = 	snop  }
__scs_overlays_trampoline_lowered:
0x8: {  	[smem:$0x3FAD] =	sst s0  }
0x9: {  	[smem:$0x3FAE] =	sst s1  }
0xa: {  	[smem:$0x3FAF] =	sst s2  }
0xb: {  	[smem:$0x3FB0] =	sst s3  }
0xc: {  	[smem:$0x3FB1] =	sst s4  }
0xd: {  	[smem:$0x3FB2] =	sst s5  }
0xe: {  	[smem:$0x3FB3] =	sst s6  }
0xf: {  	[smem:$0x3FB4] =	sst s7  }
0x10: {  	[smem:$0x3FB5] =	sst s8  }
0x11: {  	[smem:$0x3FB6] =	sst s9;
	s0 =	simm.s32 @!p0 $0x0  }
0x12: {  	s1 =	sld [smem:$0x3F9C];
	s0 =	simm.s32 @p0 $0x1  }
0x13: {  	[smem:$0x3FB7] =	sst s0;
	s0 =	simm.s32 @!p1 $0x0  }
0x14: {  	s2 =	sld [smem:$0x3F9B];
	s0 =	simm.s32 @p1 $0x1  }
0x15: {  	[smem:$0x3FB8] =	sst s0;
	s0 =	simm.s32 @!p2 $0x0  }
0x16: {  	s3 =	sld [smem:$0x3FDB];
	s0 =	simm.s32 @p2 $0x1  }
0x17: {  	s4 =	simm.s32 $0x1BF5;
	[smem:$0x3FBA] =	sst s0  }
0x18: {  	s0 =	sld [smem:$0x3F9D];
	_ =	swait.ge [sflag:s4], $0x0  }
0x19: {  	s7 =	sld [smem:$0x3F9E]  }
0x1a: {  	s8 =	sadd.s32 $0xFFFFE003, lr  }
0x1b: {  	s9 =	sadd.s32 $0xFFFFFEF7, lr;
	s5 =	simm.s32 $0xFFFFFFFF;
	p2 =	slt.u32 s8, $0xFFFFF086  }
0x1c: {  	p1 =	slt.u32 s9, $0xF7A;
	s5 =	simm.s32 @!p2 $0x0  }
0x1d: {  	s5 =	simm.s32 @p1 $0x1;
	p0 =	seq.s32 s7, s2  }
0x1e: {  	s7 =	smul.u32 @!p0 $0xF7A, s2;
	p2 =	seq.s32 @!p0 s5, $0x0  }
0x1f: {  	s9 =	smul.u32 $0xF7A, s1;
	s8 =	simm.s32 @!p0 $0x1BF5;
	p2 =	por !p2, p0  }
0x20: {  	[sflag:s8] =	ssyncset.s32 @!p0 $0xFFFFF086;
	s6 =	sadd.s32 @!p0 s3, s7;
	s7 =	simm.s32 @!p0 $0x108  }
0x21: {  	s3 =	sadd.s32 s3, s9;
	s6 =	sadd.s32 @!p0 $0x88, s6;
	s7 =	simm.s32 @p2 $0x1082  }
0x22: {  	[simem:s7], [sflag:s8] =	dma.local @!p0 [hbm:s6], $0xF7A  }
0x23: {  	s9 =	sor.u32 $0xD0000000, s2;
	s6 =	simm.s32 $0x108;
	_ =	swait.ge @!p0 [sflag:s8], $0x0  }
0x24: {  	s3 =	sadd.s32 $0x88, s3;
	s6 =	simm.s32 @!p1 $0x1082;
	[sflag:s4] =	ssyncset.s32 $0xFFFFF086  }
0x25: {  	[simem:s6], [sflag:s4] =	dma.local [hbm:s3], $0xF7A  }
0x26: {  	[smem:$0x3F9E] =	sst s1;
	(tag) =	ssettag s2;
	_ =	strace s9  }
0x27: {  	s1 =	sld [smem:$0x3FAE]  }
0x28: {  	s2 =	sld [smem:$0x3FAF]  }
0x29: {  	s4 =	sld [smem:$0x3FB1]  }
0x2a: {  	p0 =	seq.s32 s5, $0x0;
	s5 =	sld [smem:$0x3FB2]  }
0x2b: {  	s6 =	sld [smem:$0x3FB3]  }
0x2c: {  	s7 =	sld [smem:$0x3FB4]  }
0x2d: {  	s3 =	simm.s32 $0x108;
	s8 =	sld [smem:$0x3FB5]  }
0x2e: {  	s3 =	simm.s32 @!p0 $0x1082;
	s9 =	sld [smem:$0x3FB6]  }
0x2f: {  	lr =	sadd.s32 s0, s3;
	s0 =	sld [smem:$0x3FAD]  }
0x30: {  	s3 =	sld [smem:$0x3FB0]  }
0x31: {  	[smem:$0x3FB9] =	sst s10  }
0x32: {  	s10 =	sld [smem:$0x3FB7];
	_ =	sdelay $0x3  }
0x33: {  	p0 =	seq.s32 s10, $0x1;
	s10 =	sld [smem:$0x3FB9];
	_ =	sdelay $0x3  }
0x34: {  	[smem:$0x3FB9] =	sst s10  }
0x35: {  	s10 =	sld [smem:$0x3FB8];
	_ =	sdelay $0x3  }
0x36: {  	p1 =	seq.s32 s10, $0x1;
	s10 =	sld [smem:$0x3FB9];
	_ =	sdelay $0x3  }
0x37: {  	[smem:$0x3FB9] =	sst s10  }
0x38: {  	s10 =	sld [smem:$0x3FBA]  }
0x39: {  	_ = 	snop;
	(pc) =	sbr.ind lr, $3  }
0x3a: {  	_ = 	snop  }
0x3b: {  	_ = 	snop  }
0x3c: {  	p2 =	seq.s32 s10, $0x1;
	s10 =	sld [smem:$0x3FB9]  }
0x3d: {  	_ =	shalt  }
0x3e: {  	_ =	shalt  }
0x3f: {  	_ =	shalt  }
0x40: {  	_ =	shalt  }
0x41: {  	_ =	shalt  }
0x42: {  	_ =	shalt  }
0x43: {  	_ =	shalt  }
0x44: {  	_ =	shalt  }
0x45: {  	_ =	shalt  }
0x46: {  	_ =	shalt  }
0x47: {  	_ =	shalt  }
0x48: {  	_ =	shalt  }
0x49: {  	_ =	shalt  }
0x4a: {  	_ =	shalt  }
0x4b: {  	_ =	shalt  }
0x4c: {  	_ =	shalt  }
0x4d: {  	_ =	shalt  }
0x4e: {  	_ =	shalt  }
0x4f: {  	_ =	shalt  }
0x50: {  	_ =	shalt  }
0x51: {  	_ =	shalt  }
0x52: {  	_ =	shalt  }
0x53: {  	_ =	shalt  }
0x54: {  	_ =	shalt  }
0x55: {  	_ =	shalt  }
0x56: {  	_ =	shalt  }
0x57: {  	_ =	shalt  }
0x58: {  	_ =	shalt  }
0x59: {  	_ =	shalt  }
0x5a: {  	_ =	shalt  }
0x5b: {  	_ =	shalt  }
0x5c: {  	_ =	shalt  }
0x5d: {  	_ =	shalt  }
0x5e: {  	_ =	shalt  }
0x5f: {  	_ =	shalt  }
0x60: {  	_ =	shalt  }
0x61: {  	_ =	shalt  }
0x62: {  	_ =	shalt  }
0x63: {  	_ =	shalt  }
0x64: {  	_ =	shalt  }
0x65: {  	_ =	shalt  }
0x66: {  	_ =	shalt  }
0x67: {  	_ =	shalt  }
0x68: {  	_ =	shalt  }
0x69: {  	_ =	shalt  }
0x6a: {  	_ =	shalt  }
0x6b: {  	_ =	shalt  }
0x6c: {  	_ =	shalt  }
0x6d: {  	_ =	shalt  }
0x6e: {  	_ =	shalt  }
0x6f: {  	_ =	shalt  }
0x70: {  	_ =	shalt  }
0x71: {  	_ =	shalt  }
0x72: {  	_ =	shalt  }
0x73: {  	_ =	shalt  }
0x74: {  	_ =	shalt  }
0x75: {  	_ =	shalt  }
0x76: {  	_ =	shalt  }
0x77: {  	_ =	shalt  }
0x78: {  	_ =	shalt  }
0x79: {  	_ =	shalt  }
0x7a: {  	_ =	shalt  }
0x7b: {  	_ =	shalt  }
0x7c: {  	_ =	shalt  }
0x7d: {  	_ =	shalt  }
0x7e: {  	_ =	shalt  }
0x7f: {  	_ =	shalt  }
0x80: {  	_ =	shalt  }
0x81: {  	_ =	shalt  }
0x82: {  	_ =	shalt  }
0x83: {  	_ =	shalt  }
0x84: {  	_ =	shalt  }
0x85: {  	_ =	shalt  }
0x86: {  	_ =	shalt  }
0x87: {  	_ =	shalt  }
.Lfunc_end0:
.L_simem_size_0:
called_computation_lowered:
.L_overlay_start_0:
0x88: {  	s2 =	sld [smem:$0x3FD9]  }
0x89: {  	s3 =	sld [smem:$0x3FFE];
	_ =	sdelay $0x1  }
0x8a: {  	s1 =	srdreg.scid  }
0x8b: {  	s0 =	sand.u32 $0x1, s1  }
0x8c: {  	s14 =	sshll.u32 s0, $0xA;
	s2 =	sadd.s32 s3, s2  }
0x8d: {  	s2 =	sadd.s32 s2, s14  }
0x8e: {  	[smem:$0x3FC5] =	sst s2  }
0x8f: {  	_ = 	snop  }
0x90: {  	s2 =	sld [smem:$0x3FD0];
	_ =	sdelay $0x2  }
0x91: {  	s15 =	simm.s32 $0xA;
	s4 =	simm.s32 $0x10  }
0x92: {  	[smem:s4], [sflag:s15] =	dma.local [hbm:s2], $0x1  }
0x93: {  	_ =	swait.eq [sflag:s15], $0x1  }
0x94: {  	[sflag:s15] =	ssyncset.done $0x0  }
0x95: {  	s16 =	sld [smem:$0x10];
	[sflag:s15] =	ssyncadd.s32 $0xFFFFFFFF  }
0x96: {  	s17 =	sld [smem:$0x11];
	(tm) =	ssettm $0x1  }
0x97: {  	s18 =	sld [smem:$0x3FFB];
	_ =	sdelay $0x3  }
0x98: {  	_ =	strace s18  }
0x99: {  	s4 =	sld [smem:$0x3FFC];
	_ =	sdelay $0x3  }
0x9a: {  	_ =	strace s4  }
0x9b: {  	s4 =	sld [smem:$0x3FFD];
	_ =	sdelay $0x3  }
0x9c: {  	_ =	strace s4  }
0x9d: {  	_ =	strace $0x8FFFFFFF  }
0x9e: {  	s19 =	sld [smem:$0x3FDB];
	_ =	sdelay $0x1  }
0x9f: {  	s5 =	simm.s32 $_scs_section_size  }
0xa0: {  	s6 =	simm.s32 $_size__tile_overlayer_lowered;
	s7 =	simm.s32 $_tile_overlayer_lowered  }
0xa1: {  	s22 =	simm.s32 $0x1BFF;
	s21 =	sshll.u32 s7, $0x1;
	s4 =	sadd.s32 s5, s19  }
0xa2: {  	s8 =	simm.s32 $0x0;
	s20 =	sshll.u32 s6, $0x1;
	s6 =	sadd.s32 s21, s4  }
0xa3: {  	[timem:s8], [sflag:s22] =	dma.local [hbm:s6], s20  }
0xa4: {  	_ =	swait.ge [sflag:s22], s20  }
0xa5: {  	s5 =	ssub.s32 $0x0, s20;
	[sflag:s22] =	ssyncset.done $0x0  }
0xa6: {  	[sflag:s22] =	ssyncadd.s32 s5;
	_ =	sdelay $0x1  }
0xa7: {  	s23 =	simm.s32 $0x1B8B  }
0xa8: {  	_ =	swait.ge [sflag:s23], $0x1  }
0xa9: {  	[sflag:s23] =	ssyncset.done $0x0  }
0xaa: {  	s25 =	simm.s32 $0x1B8E;
	s24 =	sld [smem:$0x3FFE];
	[sflag:s23] =	ssyncadd.s32 $0xFFFFFFFF  }
0xab: {  	s26 =	simm.s32 $execute0_lowered;
	[smem:$0x3FD2] =	sst s25  }
0xac: {  	s6 =	sshll.u32 s26, $0x1;
	_ =	strace $0x80000046;
	[dreg:$0x1] =	wrdreg $0xFFFFFFFF  }
0xad: {  	s28 =	simm.s32 $_size_execute0_lowered;
	s4 =	sadd.s32 s4, s6;
	[dreg:$0x0] =	wrdreg $0x0  }
0xae: {  	s6 =	sshll.u32 s28, $0x1;
	[dreg:$0x2] =	wrdreg s4  }
0xaf: {  	[dreg:$0x3] =	wrdreg s6  }
0xb0: {  	[dreg:$0x4] =	wrdreg $0xC0  }
0xb1: {  	_ =	task [dreg:s8], $0x5FFFF  }
0xb2: {  	[dreg:$0x1] =	wrdreg $0xFFFFFFFF  }
0xb3: {  	[dreg:$0x0] =	wrdreg $0x60  }
0xb4: {  	[dreg:$0x2] =	wrdreg s16  }
0xb5: {  	[dreg:$0x3] =	wrdreg s24  }
0xb6: {  	[dreg:$0x4] =	wrdreg s17  }
0xb7: {  	[dreg:$0x5] =	wrdreg $0x9  }
0xb8: {  	_ =	task.clear_ibuf [dreg:s8], $0x6FFFF;
	_ =	strace $0x90000046  }
0xb9: {  	s29 =	simm.s32 $0x9;
	_ =	strace $0x80000048  }
0xba: {  	_ =	swait.ge [sflag:s29], $0x1  }
0xbb: {  	[sflag:s29] =	ssyncadd.s32 $0xFFFFFFFF  }
0xbc: {  	_ =	strace $0x90000048  }
0xbd: {  	_ =	sfence  }
0xbe: {  	s30 =	sld [smem:$0x0];
	_ =	sdelay $0x2  }
0xbf: {  	s31 =	sshll.u32 s1, $0xD;
	s1 =	sshrl.u32 s1, $0x2  }
0xc0: {  	s3 =	sand.u32 $0x4000, s31;
	s1 =	sadd.s32 s1, s30  }
0xc1: {  	s0 =	sor.u32 s3, s0;
	s1 =	sshll.u32 s1, $0x11  }
0xc2: {  	s0 =	sor.u32 s1, s0  }
0xc3: {  	s0 =	sadd.s32 $0x8F2B, s0  }
0xc4: {  	[sflag:s0] =	ssyncadd.remote.s32 $0x1  }
0xc5: {  	_ =	sfence.sel $0xFFFF  }
0xc6: {  	[dreg:$0x0] =	wrdreg $0xFFFFFFFF;
	(pc) =	sbr.abs _section_cstart, $3  }
0xc7: {  	[dreg:$0x1] =	wrdreg $0xFFFFFFFF  }
0xc8: {  	_ =	task.clear_ibuf [dreg:s8], $0x2FFFF;
	_ =	strace $0x9FFFFFFF  }
0xc9: {  	(tm) =	ssettm $0x7FFFFFFF  }
tec
execute0_lowered:
.L_overlay_start_1:
0x0: {  	(tag) =	ssettag $0x1  }
0x1: {  	s1 =	rddreg [dreg:$0x0]  }
0x2: {  	s5 =	rddreg [dreg:$0x1]  }
0x3: {  	s2 =	rddreg [dreg:$0x2]  }
0x4: {  	s0 =	rddreg [dreg:$0x3];
	_ =	strace $0x80000047;
	v0 =	vimm.f32 $1.310720000e+05  }
0x5: {  	(erf) = vrcp.f32 v0;
	v0 =	vimm.f32 $1.310710000e+05  }
0x6: {  	(erf) = vrcp.f32 v0  }
0x7: {  	s3 =	srdreg.scid  }
0x8: {  	s4 =	sand.u32 $0x1, s3;
	s3 =	stileid.u32  }
0x9: {  	s6 =	sor.u32 s3, s4  }
0xa: {  	p0 =	sne.s32 s6, $0x0  }
.Ltmp0:
0xb: {  	_ = 	snop;
	(pc) =	sbr.rel @p0 .LBB2_3-.Ltmp0, $3  }
0xc: {  	_ =	sdelay $0x1  }
0xd: {  	v0 =	vpop (erf)  }
0xe: {  	v1 =	vpop (erf)  }
0xf: {  	v2 =	vimm.s32 $0xFEDCBA98;
	v3 =	vimm.s32 $0x76543210  }
0x10: {  	v4 =	vimm.s32 $0xBA98FEDC;
	v5 =	vimm.s32 $0x32107654;
	v6 =	vimm.s32 $0xDCFE98BA  }
0x11: {  	v7 =	vimm.s32 $0x54761032;
	v8 =	vimm.s32 $0xEFCDAB89;
	v9 =	vimm.s32 $0x67452301  }
0x12: {  	v2 =	vunpack.c.l.s4.s8 v2;
	v3 =	vunpack.c.l.s4.s8 v3;
	v4 =	vunpack.c.l.s4.s8 v4  }
0x13: {  	v5 =	vunpack.c.l.s4.s8 v5;
	v6 =	vunpack.c.l.s4.s8 v6;
	v7 =	vunpack.c.l.s4.s8 v7  }
0x14: {  	v8 =	vunpack.c.l.s4.s8 v8;
	v9 =	vunpack.c.l.s4.s8 v9;
	v2 =	vunpack.c.0.s8.s32 v2  }
0x15: {  	v4 =	vunpack.c.0.s8.s32 v4;
	v5 =	vunpack.c.0.s8.s32 v5;
	v6 =	vunpack.c.0.s8.s32 v6  }
0x16: {  	v7 =	vunpack.c.0.s8.s32 v7;
	v8 =	vunpack.c.0.s8.s32 v8;
	v9 =	vunpack.c.0.s8.s32 v9  }
0x17: {  	s6 =	ssub.s32 $0x2, s4;
	v3 =	vunpack.c.0.s8.s32 v3;
	v4 =	vcombine.low v5, v4  }
0x18: {  	s4 =	sadd.s32 $0xE00, s5;
	s5 =	sadd.s32 $0x1000, s5;
	s8 =	simm.s32 $0x1;
	v5 =	vcombine.low v7, v6;
	v6 =	vand.u32 $0xF, v2;
	v7 =	vcombine.low v9, v8  }
0x19: {  	s9 =	simm.s32 $0x100;
	vm0 =	vmmov $0x1;
	s10 =	simm.s32 $0x200;
	s7 =	sshrl.u32 s6, $0x1;
	v2 =	vimm.f32 $0.0e+00;
	v3 =	vcombine.low v6, v3  }
0x1a: {  	s11 =	simm.s32 $0x300;
	s6 =	ssub.s32 s6, s7;
	s7 =	simm.s32 $0x0;
	v4 =	vand.u32 $0xF, v4;
	v5 =	vand.u32 $0xF, v5;
	v6 =	vand.u32 $0xF, v7  }
.LBB2_2:
0x1b: {  	[tilespmem:s7], [sflag:$0x1] =	stream.linear.gather [hbm4b:s1+s7], $0x100, $0x38;
	[tilespmem:$0x380] =	vst v63  }
0x1c: {  	_ =	swait.ge [sflag:s8], $0x100  }
0x1d: {  	[sflag:s8] =	ssyncset.done $0x0  }
0x1e: {  	[sflag:s8] =	ssyncadd.s32 $0xFFFFFF00  }
0x1f: {  	[tilespmem:s9], [sflag:$0x1] =	stream.linear.gather [hbm4b:s4+s7], $0x100, $0x38;
	[tilespmem:$0x380] =	vst v63  }
0x20: {  	_ =	swait.ge [sflag:s8], $0x100  }
0x21: {  	[sflag:s8] =	ssyncset.done $0x0  }
0x22: {  	[sflag:s8] =	ssyncadd.s32 $0xFFFFFF00  }
0x23: {  	v7 =	vld [tilespmem:$0x0]  }
0x24: {  	v8 =	vld [tilespmem:$0x100]  }
0x25: {  	v9 =	vld [tilespmem:$0x10]  }
0x26: {  	v10 =	vld [tilespmem:$0x110]  }
0x27: {  	v11 =	vld [tilespmem:$0x20]  }
0x28: {  	v12 =	vld [tilespmem:$0x120]  }
0x29: {  	v13 =	vld [tilespmem:$0x30]  }
0x2a: {  	v14 =	vld [tilespmem:$0x130]  }
0x2b: {  	v15 =	vld [tilespmem:$0x40]  }
0x2c: {  	v16 =	vld [tilespmem:$0x140]  }
0x2d: {  	v17 =	vld [tilespmem:$0x50]  }
0x2e: {  	v18 =	vld [tilespmem:$0x150]  }
0x2f: {  	v19 =	vld [tilespmem:$0x60]  }
0x30: {  	v20 =	vld [tilespmem:$0x160]  }
0x31: {  	v21 =	vld [tilespmem:$0x70]  }
0x32: {  	v22 =	vld [tilespmem:$0x170]  }
0x33: {  	v23 =	vld [tilespmem:$0x80]  }
0x34: {  	v24 =	vld [tilespmem:$0x180]  }
0x35: {  	v25 =	vld [tilespmem:$0x90]  }
0x36: {  	v26 =	vld [tilespmem:$0x190]  }
0x37: {  	v27 =	vld [tilespmem:$0xA0]  }
0x38: {  	v28 =	vld [tilespmem:$0x1A0]  }
0x39: {  	v29 =	vld [tilespmem:$0xB0]  }
0x3a: {  	v30 =	vld [tilespmem:$0x1B0]  }
0x3b: {  	v31 =	vld [tilespmem:$0xC0]  }
0x3c: {  	v32 =	vld [tilespmem:$0x1C0]  }
0x3d: {  	v33 =	vld [tilespmem:$0xD0];
	v7 =	vmul.f32 v8, v7  }
0x3e: {  	v36 =	vld [tilespmem:$0x1D0];
	v8 =	vmul.f32 v10, v9;
	v38 =	vmul.f32 v16, v15  }
0x3f: {  	v39 =	vld [tilespmem:$0xE0];
	v37 =	vmul.f32 v12, v11;
	v13 =	vmul.f32 v14, v13  }
0x40: {  	v41 =	vld [tilespmem:$0x1E0];
	v40 =	vmul.f32 v18, v17;
	v23 =	vmul.f32 v24, v23;
	v44 =	vadd.f32 v38, v7  }
0x41: {  	v43 =	vld [tilespmem:$0xF0];
	v42 =	vmul.f32 v20, v19;
	v45 =	vmul.f32 v26, v25  }
0x42: {  	v46 =	vld [tilespmem:$0x1F0];
	v49 =	vmul.f32 v32, v31;
	v47 =	vadd.f32 v40, v8;
	v18 =	vadd.f32 v23, v44  }
0x43: {  	v21 =	vmul.f32 v22, v21;
	v48 =	vmul.f32 v28, v27;
	v50 =	vadd.f32 v42, v37  }
0x44: {  	v9 =	vmul.f32 v36, v33;
	v20 =	vadd.f32 v45, v47;
	v18 =	vadd.f32 v49, v18  }
0x45: {  	v53 =	vmul.f32 v41, v39;
	v52 =	vadd.f32 v21, v13;
	v55 =	vadd.f32 v48, v50  }
0x46: {  	v51 =	vmul.f32 v30, v29;
	v54 =	vadd.f32 v9, v20;
	v57 =	vadd.f32 $9.999999970e-07, v18  }
0x47: {  	v56 =	vmul.f32 v46, v43;
	v15 =	vadd.f32 v53, v55  }
0x48: {  	v58 =	vadd.f32 v51, v52;
	v12 =	vadd.f32 $9.999999970e-07, v54;
	(erf) = vrcp.f32 v57  }
0x49: {  	v15 =	vadd.f32 $9.999999970e-07, v15  }
0x4a: {  	v18 =	vadd.f32 v56, v58;
	(erf) = vrcp.f32 v12  }
0x4b: {  	(erf) = vrcp.f32 v15  }
0x4c: {  	v59 =	vadd.f32 $9.999999970e-07, v18;
	_ =	sdelay $0x1  }
0x4d: {  	(erf) = vrcp.f32 v59;
	_ =	sdelay $0x2  }
0x4e: {  	v60 =	vpop (erf)  }
0x4f: {  	v7 =	vmul.f32 v60, v7;
	v32 =	vmul.f32 v60, v38  }
0x50: {  	v61 =	vpop (erf);
	v33 =	vmul.f32 v60, v23;
	v35 =	vmul.f32 v60, v49  }
0x51: {  	v8 =	vmul.f32 v61, v8;
	v62 =	vpop (erf);
	v9 =	vmul.f32 v61, v9  }
0x52: {  	v18 =	vmul.f32 $4.000000000e+00, v7;
	v7 =	vmul.f32 v62, v37  }
0x53: {  	v16 =	vmul.f32 $4.000000000e+00, v32;
	v10 =	vmul.f32 $4.000000000e+00, v33  }
0x54: {  	v63 =	vpop (erf);
	v37 =	vmul.f32 v62, v53;
	v15 =	vmul.f32 $4.000000000e+00, v8  }
0x55: {  	v8 =	vmul.f32 v63, v13;
	v34 =	vmul.f32 v63, v51  }
0x56: {  	v9 =	vmul.f32 $4.000000000e+00, v9;
	v20 =	vmul.f32 $4.000000000e+00, v7  }
0x57: {  	v7 =	vmul.f32 v61, v40;
	vm1 =	vgt.f32 v18, $0.0e+00;
	v40 =	vmul.f32 v63, v56  }
0x58: {  	v38 =	vadd.f32 v16, v18;
	v19 =	vmul.f32 $4.000000000e+00, v8;
	v8 =	vmul.f32 v63, v21  }
0x59: {  	v12 =	vmul.f32 $4.000000000e+00, v34;
	v36 =	vsel vm1, $0x3F800000, v2;
	vm1 =	vgt.f32 v16, $0.0e+00  }
0x5a: {  	v13 =	vmul.f32 $4.000000000e+00, v7;
	v7 =	vmul.f32 v62, v42;
	v39 =	vsel vm1, $0x3F800000, v2  }
0x5b: {  	vm1 =	vgt.f32 v10, $0.0e+00;
	v23 =	vadd.f32 v38, v10;
	v17 =	vmul.f32 $4.000000000e+00, v8  }
0x5c: {  	v24 =	vadd.f32 v39, v36;
	v41 =	vsel vm1, $0x3F800000, v2;
	vm1 =	vgt.f32 v15, $0.0e+00  }
0x5d: {  	v14 =	vmul.f32 $4.000000000e+00, v7;
	v7 =	vmul.f32 v61, v45;
	v42 =	vsel vm1, $0x3F800000, v2  }
0x5e: {  	vm1 =	vgt.f32 v13, $0.0e+00;
	v44 =	vadd.f32 v13, v15;
	v24 =	vadd.f32 v24, v41  }
0x5f: {  	v43 =	vsel vm1, $0x3F800000, v2;
	v8 =	vmul.f32 $4.000000000e+00, v7;
	v7 =	vmul.f32 v62, v48  }
0x60: {  	v21 =	vmul.f32 $4.000000000e+00, v37;
	v57 =	vadd.f32 v17, v19;
	v25 =	vadd.f32 v43, v42  }
0x61: {  	v11 =	vmul.f32 $4.000000000e+00, v7;
	v7 =	vmul.f32 $4.000000000e+00, v35;
	v46 =	vadd.f32 v44, v8  }
0x62: {  	v22 =	vmul.f32 $4.000000000e+00, v40;
	v51 =	vadd.f32 v14, v20;
	v58 =	vadd.f32 v57, v12  }
0x63: {  	v23 =	vadd.f32 v23, v7;
	vm1 =	vgt.f32 v7, $0.0e+00;
	v26 =	vadd.f32 v46, v9  }
0x64: {  	v29 =	vadd.f32 v51, v11;
	v45 =	vsel vm1, $0x3F800000, v2;
	vm1 =	vgt.f32 v8, $0.0e+00  }
0x65: {  	v24 =	vadd.f32 v24, v45;
	v47 =	vsel vm1, $0x3F800000, v2;
	vm1 =	vgt.f32 v9, $0.0e+00  }
0x66: {  	v48 =	vadd.f32 $0.0e+00, v23;
	v49 =	vsel vm1, $0x3F800000, v2;
	vm1 =	vgt.f32 v20, $0.0e+00  }
0x67: {  	v29 =	vadd.f32 v29, v21;
	v50 =	vsel vm1, $0x3F800000, v2;
	vm1 =	vgt.f32 v14, $0.0e+00  }
0x68: {  	v25 =	vadd.f32 v25, v47;
	v52 =	vsel vm1, $0x3F800000, v2;
	vm1 =	vgt.f32 v11, $0.0e+00  }
0x69: {  	v27 =	vadd.f32 v52, v50;
	v54 =	vsel vm1, $0x3F800000, v2;
	vm1 =	vgt.f32 v19, $0.0e+00  }
0x6a: {  	v25 =	vadd.f32 v25, v49;
	v55 =	vsel vm1, $0x3F800000, v2;
	vm1 =	vgt.f32 v17, $0.0e+00  }
0x6b: {  	v27 =	vadd.f32 v27, v54;
	v56 =	vsel vm1, $0x3F800000, v2;
	vm1 =	vgt.f32 v21, $0.0e+00  }
0x6c: {  	v34 =	vsel vm1, $0x3F800000, v2;
	v30 =	vadd.f32 v56, v55;
	vm1 =	vgt.f32 v12, $0.0e+00  }
0x6d: {  	v28 =	vadd.f32 v26, v48;
	v53 =	vadd.f32 v25, v24;
	v59 =	vsel vm1, $0x3F800000, v2  }
0x6e: {  	v27 =	vadd.f32 v27, v34;
	vm1 =	vgt.f32 v22, $0.0e+00;
	v30 =	vadd.f32 v30, v59  }
0x6f: {  	v32 =	vadd.f32 v58, v22;
	v28 =	vadd.f32 v29, v28;
	v60 =	vsel vm1, $0x3F800000, v2  }
0x70: {  	v31 =	vadd.f32 v27, v53;
	v30 =	vadd.f32 v30, v60  }
0x71: {  	v28 =	vadd.f32 v32, v28  }
0x72: {  	v31 =	vadd.f32 v30, v31  }
0x73: {  	v61 =	vperm.xlane v28, v3  }
0x74: {  	v62 =	vperm.xlane v31, v3  }
0x75: {  	v28 =	vadd.f32 v61, v28  }
0x76: {  	v23 =	vmul.f32 v23, v23;
	v26 =	vmul.f32 v26, v26;
	v31 =	vadd.f32 v62, v31  }
0x77: {  	v24 =	vmul.f32 v24, v24;
	v33 =	vperm.xlane v28, v4  }
0x78: {  	v25 =	vmul.f32 v25, v25;
	v34 =	vperm.xlane v31, v4  }
0x79: {  	v63 =	vmul.f32 v29, v29;
	v23 =	vadd.f32 v26, v23;
	v35 =	vadd.f32 v33, v28  }
0x7a: {  	v24 =	vadd.f32 v25, v24;
	v27 =	vmul.f32 v27, v27;
	v37 =	vadd.f32 v34, v31  }
0x7b: {  	v36 =	vmul.f32 v32, v32;
	v23 =	vadd.f32 v63, v23;
	v39 =	vperm.xlane v35, v5  }
0x7c: {  	v24 =	vadd.f32 v27, v24;
	v38 =	vmul.f32 v30, v30;
	v40 =	vperm.xlane v37, v5  }
0x7d: {  	v23 =	vadd.f32 v36, v23;
	v25 =	vadd.f32 v39, v35  }
0x7e: {  	v24 =	vadd.f32 v38, v24;
	v26 =	vadd.f32 v40, v37  }
0x7f: {  	v41 =	vperm.xlane v23, v3;
	v42 =	vperm.xlane v25, v6  }
0x80: {  	v43 =	vperm.xlane v24, v3;
	v44 =	vperm.xlane v26, v6  }
0x81: {  	v23 =	vadd.f32 v41, v23;
	v25 =	vadd.f32 v42, v25  }
0x82: {  	v24 =	vadd.f32 v43, v24;
	v26 =	vadd.f32 v44, v26  }
0x83: {  	v45 =	vperm.xlane v23, v4;
	v25 =	vmul.f32 v25, v0  }
0x84: {  	v46 =	vperm.xlane v24, v4;
	v26 =	vmul.f32 v26, v0  }
0x85: {  	v23 =	vadd.f32 v45, v23;
	v47 =	vmul.f32 v25, v25  }
0x86: {  	v24 =	vadd.f32 v46, v24;
	v48 =	vmul.f32 v26, v26  }
0x87: {  	v49 =	vperm.xlane v23, v5;
	v27 =	vadd.f32 $1.000000010e-10, v47  }
0x88: {  	v50 =	vperm.xlane v24, v5;
	v28 =	vadd.f32 $1.000000010e-10, v48  }
0x89: {  	[tilespmem:$0x200] =	vst v18;
	v51 =	vadd.f32 v49, v23;
	(erf) = vrcp.f32 v27  }
0x8a: {  	[tilespmem:$0x240] =	vst v16;
	v52 =	vadd.f32 v50, v24;
	(erf) = vrcp.f32 v28  }
0x8b: {  	[tilespmem:$0x280] =	vst v10;
	v53 =	vperm.xlane v51, v6;
	v55 =	vmul.f32 $1.310720000e+05, v25  }
0x8c: {  	[tilespmem:$0x210] =	vst v15;
	v54 =	vperm.xlane v52, v6;
	v56 =	vmul.f32 $1.310720000e+05, v26  }
0x8d: {  	[tilespmem:$0x2D0] =	vst v9;
	v15 =	vadd.f32 v53, v51  }
0x8e: {  	[tilespmem:$0x220] =	vst v20;
	v58 =	vmul.f32 v55, v25;
	v57 =	vadd.f32 v54, v52;
	v59 =	vmul.f32 v56, v26  }
0x8f: {  	[tilespmem:$0x230] =	vst v19  }
0x90: {  	[tilespmem:$0x250] =	vst v13;
	v60 =	vsub.f32 v15, v58;
	v13 =	vsub.f32 v57, v59  }
0x91: {  	[tilespmem:$0x2B0] =	vst v12  }
0x92: {  	[tilespmem:$0x290] =	vst v8;
	v8 =	vmul.f32 v60, v1;
	v61 =	vpop (erf);
	v13 =	vmul.f32 v13, v1  }
0x93: {  	[tilespmem:$0x2E0] =	vst v21;
	v62 =	vpop (erf)  }
0x94: {  	[tilespmem:$0x2F0] =	vst v22;
	v8 =	vmul.f32 v8, v61;
	v63 =	vmul.f32 v13, v62  }
0x95: {  	[tilespmem:$0x270] =	vst v17  }
0x96: {  	[tilespmem:$0x2C0] =	vst v7;
	v7 =	vadd.f32 v63, v8  }
0x97: {  	[tilespmem:$0x260] =	vst v14  }
0x98: {  	[tilespmem:$0x2A0] =	vst v11;
	v7 =	vnsel vm0, $0x0, v7  }
0x99: {  	[tilespmem:$0x300] =	vst v7  }
0x9a: {  	[hbm4b:s5+s7] =	stream.linear.scatter [tilespmem:s10], [sflag:$0x1], $0x100, $0x38;
	[tilespmem:$0x380] =	vst v63  }
0x9b: {  	_ =	swait.ge [sflag:s8], $0x100  }
0x9c: {  	p0 =	sne.s32 s6, $0x1;
	[sflag:s8] =	ssyncset.done $0x0  }
.Ltmp1:
0x9d: {  	[sflag:s8] =	ssyncadd.s32 $0xFFFFFF00;
	(pc) =	sbr.rel @p0 .LBB2_2-.Ltmp1, $4  }
0x9e: {  	[hbm4b:s2+s7] =	stream.linear.scatter [tilespmem:s11], [sflag:$0x1], $0x80, $0x38;
	[tilespmem:$0x380] =	vst v63  }
0x9f: {  	_ =	swait.ge [sflag:s8], $0x80  }
0xa0: {  	[sflag:s8] =	ssyncset.done $0x0  }
0xa1: {  	s6 =	sadd.s32 $0xFFFFFFFF, s6;
	[sflag:s8] =	ssyncadd.s32 $0xFFFFFF80  }
.LBB2_3:
0xa2: {  	_ =	sfence.sel $0x180000  }
0xa3: {  	[bflag:$0x0] =	sbarrier.arrive $0xFFFF  }
0xa4: {  	p0 =	sne.s32 s3, $0x0;
	_ =	strace $0x90000047  }
0xa5: {  	s0 =	sadd.s32 @!p0 $0x100000, s0;
	[bflag:$0x2] =	sbarrier.arrive $0xFFFF  }
0xa6: {  	[sflag:s0] =	ssyncadd.tile.s32 @!p0 $0x1;
	_ =	shalt  }
.Lfunc_end2:
_tile_overlayer_lowered:
.L_overlay_start_2:
0xa7: {  	(tag) =	ssettag $0x2  }
0xa8: {  	s0 =	rddreg [dreg:$0x0];
	s2 =	stileid.u32  }
0xa9: {  	s1 =	rddreg [dreg:$0x1];
	p0 =	sne.s32 s2, $0x0  }
0xaa: {  	s3 =	rddreg [dreg:$0x2];
	[bflag:$0x3] =	sbarrier.arrive $0xFFFF;
	s2 =	simm.s32 @!p0 $0x1C01  }
0xab: {  	[timem:s3], [sflag:s2] =	dma.local @!p0 [hbm:s0], s1  }
0xac: {  	s0 =	simm.s32 @!p0 $0x1  }
0xad: {  	_ =	swait.ge @!p0 [sflag:s0], s1  }
0xae: {  	s1 =	ssub.s32 @!p0 $0x0, s1;
	[sflag:s0] =	ssyncset.done @!p0 $0x0  }
0xaf: {  	[sflag:s0] =	ssyncadd.s32 @!p0 s1  }
0xb0: {  	[bflag:$0x3] =	sbarrier.arrive $0xFFFF  }
0xb1: {  	_ =	shalt  }

</sc_bundles>
